<compile_context>
chip_gen: v7x
topology: tpu7x:2x2x1
jax: 0.10.2.dev20260603
libtpu: 0.0.44.dev20260713+nightly
codegen_flags: <defaults>
</compile_context>

<pallas_src>
import jax
import jax.numpy as jnp
from jax import lax
from jax.experimental import pallas as pl
from jax.experimental.pallas import tpu as pltpu
from jax.experimental.pallas import tpu_sc as plsc

_EMBED_DIM = 64
_ROW = 128
_STRIDE = 67
_L = 16
_EG = 8


def _sc_geometry():
    try:
        info = plsc.get_sparse_core_info()
        return info.num_cores, info.num_subcores
    except Exception:
        return 2, 16


_NC, _NS = _sc_geometry()
_NW = _NC * _NS


def _project_body(glove_ref, w_ref, b_ref, out_ref):
    proj = lax.dot_general(
        glove_ref[...], w_ref[...],
        dimension_numbers=(((1,), (1,)), ((), ())),
        preferred_element_type=jnp.float32,
    ) + b_ref[...]
    out_ref[...] = jnp.pad(proj, ((0, 0), (0, _ROW - _EMBED_DIM)))


def _project(glove_table, W, b):
    V = glove_table.shape[0]
    return pl.pallas_call(
        _project_body,
        out_shape=jax.ShapeDtypeStruct((V, _ROW), jnp.float32),
    )(glove_table, W, b.reshape(1, _EMBED_DIM))


def _gather_body(table_hbm, idx_hbm, out_hbm, tab_a, tab_v, idxs, bufs,
                 isems, wsems):
    nk = idx_hbm.shape[0]
    batch = idx_hbm.shape[1]
    nq = _NW // _EG
    bq = batch // nq
    ngroups = bq // _L
    wid = lax.axis_index("s") * _NC + lax.axis_index("c")
    eg = lax.rem(wid, _EG)
    qq = wid // _EG
    e0 = eg * _EG
    b0 = qq * bq

    pltpu.sync_copy(table_hbm, tab_a)

    def restride(r, _):
        base = r * _STRIDE
        for q in range(_EMBED_DIM // _L):
            v = tab_a[r, pl.ds(q * _L, _L)]
            tab_v[pl.ds(base + q * _L, _L)] = v
        return ()

    lax.fori_loop(0, table_hbm.shape[0], restride, ())

    def stage_idx(kk, slot):
        pltpu.async_copy(idx_hbm.at[kk, pl.ds(b0, bq)], idxs[slot],
                         isems[slot])

    def wait_idx(slot):
        pltpu.make_async_copy(idx_hbm.at[0, pl.ds(b0, bq)], idxs[slot],
                              isems[slot]).wait()

    def wait_write(slot):
        pltpu.make_async_copy(bufs[slot],
                              out_hbm.at[0, pl.ds(e0, _EG), pl.ds(b0, bq)],
                              wsems[slot]).wait()

    stage_idx(0, 0)

    def kblock(kk, _):
        s = lax.rem(kk, 2)

        @pl.when(kk + 1 < nk)
        def _():
            lax.cond(s == 0, lambda: stage_idx(kk + 1, 1),
                     lambda: stage_idx(kk + 1, 0))

        @pl.when(kk >= 2)
        def _():
            lax.cond(s == 0, lambda: wait_write(0), lambda: wait_write(1))

        def fill_s(slot):
            wait_idx(slot)

            @plsc.parallel_loop(0, ngroups, unroll=4)
            def group(g):
                idx16 = idxs[slot][pl.ds(g * _L, _L)]
                a0 = idx16 * _STRIDE + e0

                @plsc.parallel_loop(0, _EG, unroll=8)
                def elem(e):
                    v = plsc.load_gather(tab_v, [a0 + e])
                    bufs[slot][e, pl.ds(g * _L, _L)] = v

            pltpu.async_copy(bufs[slot],
                             out_hbm.at[kk, pl.ds(e0, _EG), pl.ds(b0, bq)],
                             wsems[slot])

        lax.cond(s == 0, lambda: fill_s(0), lambda: fill_s(1))
        return ()

    lax.fori_loop(0, nk, kblock, ())
    wait_write(0)
    wait_write(1)


def _sc_gather(table, idx_t, batch, k):
    bq = batch // (_NW // _EG)
    mesh = plsc.VectorSubcoreMesh(core_axis_name="c", subcore_axis_name="s",
                                  num_cores=_NC, num_subcores=_NS)
    run = pl.kernel(
        _gather_body,
        out_type=jax.ShapeDtypeStruct((k, _EMBED_DIM, batch), jnp.float32),
        mesh=mesh,
        compiler_params=pltpu.CompilerParams(needs_layout_passes=False),
        scratch_types=[
            pltpu.VMEM(table.shape, jnp.float32),
            pltpu.VMEM((table.shape[0] * _STRIDE,), jnp.float32),
            [pltpu.VMEM((bq,), jnp.int32) for _ in range(2)],
            [pltpu.VMEM((_EG, bq), jnp.float32) for _ in range(2)],
            [pltpu.SemaphoreType.DMA for _ in range(2)],
            [pltpu.SemaphoreType.DMA for _ in range(2)],
        ],
    )
    return run(table, idx_t)


def kernel(type_indices, glove_table, W, b):
    batch, k = type_indices.shape
    table = _project(glove_table, W, b)
    idx_t = type_indices.astype(jnp.int32).T
    out_t = _sc_gather(table, idx_t, batch, k)
    return out_t.transpose(2, 0, 1)

# --- scband reference (transcript-rebuilt; emitter-appended) ---
"""Pipeline reference for scband-neighbor-node-type-encoder-9938554322945 (READ-ONLY COPY).

The authoritative reference and input builder live on the scoring server;
editing this copy changes nothing except your own understanding.
"""

import jax, jax.numpy as jnp
import numpy as np

NUM_TYPES = 64  # len(node_type_map); mask_idx = 64 -> table has 65 rows
GLOVE_DIM = 300
EMBED_DIM = 64
BATCH = 16384
K = 50


def setup_inputs(seed: int = 0) -> dict:
    key = jax.random.key(seed)
    k1, k2, k3 = jax.random.split(key, 3)
    # forward arg: integer node-type indices [Batch, K], values in [0, NUM_TYPES)
    type_indices = jax.random.randint(k1, (BATCH, K), 0, NUM_TYPES)
    # frozen GloVe embedding table for all table names (+ mask row), produced under no_grad in torch
    glove_table = jax.random.normal(k2, (NUM_TYPES + 1, GLOVE_DIM), dtype=jnp.float32) * 0.1
    # nn.Linear(300, embedding_dim) parameters
    bound = 1.0 / np.sqrt(GLOVE_DIM)
    kW, kb = jax.random.split(k3)
    W = jax.random.uniform(kW, (EMBED_DIM, GLOVE_DIM), dtype=jnp.float32, minval=-bound, maxval=bound)
    b = jax.random.uniform(kb, (EMBED_DIM,), dtype=jnp.float32, minval=-bound, maxval=bound)
    return {"type_indices": type_indices, "glove_table": glove_table, "W": W, "b": b}


def reference(type_indices, glove_table, W, b):
    # torch.unique(type_indices, return_inverse=True)
    unique_vals, inverse = jnp.unique(type_indices, return_inverse=True, size=NUM_TYPES, fill_value=0)
    inverse = inverse.reshape(type_indices.shape)
    # GloVe embedding of each unique table name, computed with no_grad
    unique_emb = jax.lax.stop_gradient(jnp.take(glove_table, unique_vals, axis=0))
    # x = unique_embeddings[inverse_indices] -> [Batch, K, 300]
    x = unique_emb[inverse]
    # self.proj(x) -> [Batch, K, embedding_dim]
    return jnp.dot(x, W.T) + b

if __name__ == "__main__":
    import jax
    _d = setup_inputs()
    print(jax.jit(kernel)(*tuple(_d.values())))

</pallas_src>

<mosaic_0001>
#map = affine_map<(d0, d1) -> (0, 0)>
#map1 = affine_map<(d0, d1) -> (0, 0, 0)>
module attributes {stable_mosaic.version = 14 : i64} {
  func.func @_gather_body(%arg0: i32, %arg1: i32, %arg2: memref<65x128xf32, #tpu.memory_space<hbm>>, %arg3: memref<50x16384xi32, #tpu.memory_space<hbm>>, %arg4: memref<50x64x16384xf32, #tpu.memory_space<hbm>>, %arg5: memref<65x128xf32, #tpu.memory_space<vmem>>, %arg6: memref<4355xf32, #tpu.memory_space<vmem>>, %arg7: memref<4096xi32, #tpu.memory_space<vmem>>, %arg8: memref<4096xi32, #tpu.memory_space<vmem>>, %arg9: memref<8x4096xf32, #tpu.memory_space<vmem>>, %arg10: memref<8x4096xf32, #tpu.memory_space<vmem>>, %arg11: memref<!tpu.dma_semaphore, #tpu.memory_space<semaphore_mem>>, %arg12: memref<!tpu.dma_semaphore, #tpu.memory_space<semaphore_mem>>, %arg13: memref<!tpu.dma_semaphore, #tpu.memory_space<semaphore_mem>>, %arg14: memref<!tpu.dma_semaphore, #tpu.memory_space<semaphore_mem>>) attributes {dimension_semantics = [#tpu.dimension_semantics<core_parallel>, #tpu.dimension_semantics<subcore_parallel>], iteration_bounds = array<i64: 2, 16>, scalar_prefetch = 0 : i64, scratch_operands = 10 : i64, tpu.core_type = #tpu.core_type<sc_vector_subcore>, window_params = [{transform_indices = #map}, {transform_indices = #map}, {transform_indices = #map1}]} {
    %mul3A = arith.constant 2 : i32
    %mul3A_0 = arith.muli %arg1, %mul3A : i32
    %add3A = arith.addi %mul3A_0, %arg0 : i32
    %rem3A = arith.constant 8 : i32
    %rem3A_1 = arith.remsi %add3A, %rem3A : i32
    %jit3A = arith.constant 8 : i32
    %div3A = arith.divsi %add3A, %jit3A : i32
    %sign3A = arith.constant 0 : i32
    %sign3A_2 = arith.cmpi sgt, %add3A, %sign3A : i32
    %sign3A_3 = arith.extui %sign3A_2 : i1 to i32
    %sign3A_4 = arith.constant 0 : i32
    %sign3A_5 = arith.cmpi slt, %add3A, %sign3A_4 : i32
    %sign3A_6 = arith.extui %sign3A_5 : i1 to i32
    %sign3A_7 = arith.subi %sign3A_3, %sign3A_6 : i32
    %sign3A_8 = arith.constant 0 : i32
    %sign3A_9 = arith.cmpi sgt, %jit3A, %sign3A_8 : i32
    %sign3A_10 = arith.extui %sign3A_9 : i1 to i32
    %sign3A_11 = arith.constant 0 : i32
    %sign3A_12 = arith.cmpi slt, %jit3A, %sign3A_11 : i32
    %sign3A_13 = arith.extui %sign3A_12 : i1 to i32
    %sign3A_14 = arith.subi %sign3A_10, %sign3A_13 : i32
    %ne3A = arith.cmpi ne, %sign3A_7, %sign3A_14 : i32
    %rem3A_15 = arith.remsi %add3A, %jit3A : i32
    %ne3A_16 = arith.constant 0 : i32
    %ne3A_17 = arith.cmpi ne, %rem3A_15, %ne3A_16 : i32
    %and3A = arith.andi %ne3A, %ne3A_17 : i1
    %sub3A = arith.constant 1 : i32
    %sub3A_18 = arith.subi %div3A, %sub3A : i32
    %select_n3A = arith.select %and3A, %sub3A_18, %div3A : i32
    %mul3A_19 = arith.constant 8 : i32
    %mul3A_20 = arith.muli %rem3A_1, %mul3A_19 : i32
    %mul3A_21 = arith.constant 4096 : i32
    %mul3A_22 = arith.muli %select_n3A, %mul3A_21 : i32
    "tpu.region"() ({
      %run_scoped3A = tpu.sem_alloc : memref<!tpu.dma_semaphore, #tpu.memory_space<semaphore_mem>>
      tpu.enqueue_dma source(%arg2 : memref<65x128xf32, #tpu.memory_space<hbm>>) target(%arg5 : memref<65x128xf32, #tpu.memory_space<vmem>>) target_semaphore(%run_scoped3A : memref<!tpu.dma_semaphore, #tpu.memory_space<semaphore_mem>>)
      tpu.wait_dma2 semaphore(%run_scoped3A : memref<!tpu.dma_semaphore, #tpu.memory_space<semaphore_mem>>) src(%arg2 : memref<65x128xf32, #tpu.memory_space<hbm>>) dst(%arg5 : memref<65x128xf32, #tpu.memory_space<vmem>>)
      tpu.yield
    }) : () -> ()
    %scan3A = arith.constant 0 : i32
    %scan3A_23 = arith.constant 65 : i32
    %scan3A_24 = arith.addi %scan3A, %scan3A_23 : i32
    %scan3A_25 = arith.constant 1 : i32
    scf.for %scan3A_45 = %scan3A to %scan3A_24 step %scan3A_25  : i32 {
      %mul3A_46 = arith.constant 67 : i32
      %mul3A_47 = arith.muli %scan3A_45, %mul3A_46 : i32
      %get3A = arith.index_cast %scan3A_45 : i32 to index
      %get3A_48 = arith.constant 0 : index
      %get3A_49 = tpu.vector_load %arg5[%get3A, %get3A_48] {strides = array<i32>} : memref<65x128xf32, #tpu.memory_space<vmem>>, vector<16xf32>,
      %add3A_50 = arith.constant 0 : i32
      %add3A_51 = arith.addi %mul3A_47, %add3A_50 : i32
      %swap3A = arith.index_cast %add3A_51 : i32 to index
      %swap3A_52 = tpu.vector_load %arg6[%swap3A] {strides = array<i32>} : memref<4355xf32, #tpu.memory_space<vmem>>, vector<16xf32>,
      tpu.vector_store %arg6[%swap3A], %get3A_49 {strides = array<i32>} : memref<4355xf32, #tpu.memory_space<vmem>>, vector<16xf32>,
      %get3A_53 = arith.index_cast %scan3A_45 : i32 to index
      %get3A_54 = arith.constant 16 : index
      %get3A_55 = tpu.vector_load %arg5[%get3A_53, %get3A_54] {strides = array<i32>} : memref<65x128xf32, #tpu.memory_space<vmem>>, vector<16xf32>,
      %add3A_56 = arith.constant 16 : i32
      %add3A_57 = arith.addi %mul3A_47, %add3A_56 : i32
      %swap3A_58 = arith.index_cast %add3A_57 : i32 to index
      %swap3A_59 = tpu.vector_load %arg6[%swap3A_58] {strides = array<i32>} : memref<4355xf32, #tpu.memory_space<vmem>>, vector<16xf32>,
      tpu.vector_store %arg6[%swap3A_58], %get3A_55 {strides = array<i32>} : memref<4355xf32, #tpu.memory_space<vmem>>, vector<16xf32>,
      %get3A_60 = arith.index_cast %scan3A_45 : i32 to index
      %get3A_61 = arith.constant 32 : index
      %get3A_62 = tpu.vector_load %arg5[%get3A_60, %get3A_61] {strides = array<i32>} : memref<65x128xf32, #tpu.memory_space<vmem>>, vector<16xf32>,
      %add3A_63 = arith.constant 32 : i32
      %add3A_64 = arith.addi %mul3A_47, %add3A_63 : i32
      %swap3A_65 = arith.index_cast %add3A_64 : i32 to index
      %swap3A_66 = tpu.vector_load %arg6[%swap3A_65] {strides = array<i32>} : memref<4355xf32, #tpu.memory_space<vmem>>, vector<16xf32>,
      tpu.vector_store %arg6[%swap3A_65], %get3A_62 {strides = array<i32>} : memref<4355xf32, #tpu.memory_space<vmem>>, vector<16xf32>,
      %get3A_67 = arith.index_cast %scan3A_45 : i32 to index
      %get3A_68 = arith.constant 48 : index
      %get3A_69 = tpu.vector_load %arg5[%get3A_67, %get3A_68] {strides = array<i32>} : memref<65x128xf32, #tpu.memory_space<vmem>>, vector<16xf32>,
      %add3A_70 = arith.constant 48 : i32
      %add3A_71 = arith.addi %mul3A_47, %add3A_70 : i32
      %swap3A_72 = arith.index_cast %add3A_71 : i32 to index
      %swap3A_73 = tpu.vector_load %arg6[%swap3A_72] {strides = array<i32>} : memref<4355xf32, #tpu.memory_space<vmem>>, vector<16xf32>,
      tpu.vector_store %arg6[%swap3A_72], %get3A_69 {strides = array<i32>} : memref<4355xf32, #tpu.memory_space<vmem>>, vector<16xf32>,
    }
    %scan3A_26 = arith.constant 65 : i32
    %dma_start3A = arith.constant 0 : i32
    %dma_start3A_27 = tpu.memref_slice %arg3[%dma_start3A, %mul3A_22] : memref<50x16384xi32, #tpu.memory_space<hbm>> -> memref<1x4096xi32, #tpu.memory_space<hbm>>
    %dma_start3A_28 = tpu.memref_squeeze %dma_start3A_27 : memref<1x4096xi32, #tpu.memory_space<hbm>> -> memref<4096xi32, #tpu.memory_space<hbm>>
    %dma_start3A_29 = tpu.memref_slice %arg3[%dma_start3A, %mul3A_22] : memref<50x16384xi32, #tpu.memory_space<hbm>> -> memref<1x4096xi32, #tpu.memory_space<hbm>>
    %dma_start3A_30 = tpu.memref_squeeze %dma_start3A_29 : memref<1x4096xi32, #tpu.memory_space<hbm>> -> memref<4096xi32, #tpu.memory_space<hbm>>
    tpu.enqueue_dma source(%dma_start3A_30 : memref<4096xi32, #tpu.memory_space<hbm>>) target(%arg7 : memref<4096xi32, #tpu.memory_space<vmem>>) target_semaphore(%arg11 : memref<!tpu.dma_semaphore, #tpu.memory_space<semaphore_mem>>)
    %scan3A_31 = arith.constant 0 : i32
    %scan3A_32 = arith.constant 50 : i32
    %scan3A_33 = arith.addi %scan3A_31, %scan3A_32 : i32
    %scan3A_34 = arith.constant 1 : i32
    scf.for %scan3A_45 = %scan3A_31 to %scan3A_33 step %scan3A_34  : i32 {
      %rem3A_46 = arith.constant 2 : i32
      %rem3A_47 = arith.remsi %scan3A_45, %rem3A_46 : i32
      %add3A_48 = arith.constant 1 : i32
      %add3A_49 = arith.addi %scan3A_45, %add3A_48 : i32
      %lt3A = arith.constant 50 : i32
      %lt3A_50 = arith.cmpi slt, %add3A_49, %lt3A : i32
      %convert_element_type3A = arith.extui %lt3A_50 : i1 to i32
      %cond3A = arith.constant 0 : i32
      %cond3A_51 = arith.cmpi ne, %convert_element_type3A, %cond3A : i32
      scf.if %cond3A_51 {
        %eq3A_60 = arith.constant 0 : i32
        %eq3A_61 = arith.cmpi eq, %rem3A_47, %eq3A_60 : i32
        %convert_element_type3A_62 = arith.extui %eq3A_61 : i1 to i32
        %cond3A_63 = arith.constant 0 : i32
        %cond3A_64 = arith.cmpi ne, %convert_element_type3A_62, %cond3A_63 : i32
        scf.if %cond3A_64 {
          %add3A_65 = arith.constant 1 : i32
          %add3A_66 = arith.addi %scan3A_45, %add3A_65 : i32
          %dma_start3A_67 = tpu.memref_slice %arg3[%add3A_66, %mul3A_22] : memref<50x16384xi32, #tpu.memory_space<hbm>> -> memref<1x4096xi32, #tpu.memory_space<hbm>>
          %dma_start3A_68 = tpu.memref_squeeze %dma_start3A_67 : memref<1x4096xi32, #tpu.memory_space<hbm>> -> memref<4096xi32, #tpu.memory_space<hbm>>
          %dma_start3A_69 = tpu.memref_slice %arg3[%add3A_66, %mul3A_22] : memref<50x16384xi32, #tpu.memory_space<hbm>> -> memref<1x4096xi32, #tpu.memory_space<hbm>>
          %dma_start3A_70 = tpu.memref_squeeze %dma_start3A_69 : memref<1x4096xi32, #tpu.memory_space<hbm>> -> memref<4096xi32, #tpu.memory_space<hbm>>
          tpu.enqueue_dma source(%dma_start3A_70 : memref<4096xi32, #tpu.memory_space<hbm>>) target(%arg8 : memref<4096xi32, #tpu.memory_space<vmem>>) target_semaphore(%arg12 : memref<!tpu.dma_semaphore, #tpu.memory_space<semaphore_mem>>)
        } else {
          %add3A_65 = arith.constant 1 : i32
          %add3A_66 = arith.addi %scan3A_45, %add3A_65 : i32
          %dma_start3A_67 = tpu.memref_slice %arg3[%add3A_66, %mul3A_22] : memref<50x16384xi32, #tpu.memory_space<hbm>> -> memref<1x4096xi32, #tpu.memory_space<hbm>>
          %dma_start3A_68 = tpu.memref_squeeze %dma_start3A_67 : memref<1x4096xi32, #tpu.memory_space<hbm>> -> memref<4096xi32, #tpu.memory_space<hbm>>
          %dma_start3A_69 = tpu.memref_slice %arg3[%add3A_66, %mul3A_22] : memref<50x16384xi32, #tpu.memory_space<hbm>> -> memref<1x4096xi32, #tpu.memory_space<hbm>>
          %dma_start3A_70 = tpu.memref_squeeze %dma_start3A_69 : memref<1x4096xi32, #tpu.memory_space<hbm>> -> memref<4096xi32, #tpu.memory_space<hbm>>
          tpu.enqueue_dma source(%dma_start3A_70 : memref<4096xi32, #tpu.memory_space<hbm>>) target(%arg7 : memref<4096xi32, #tpu.memory_space<vmem>>) target_semaphore(%arg11 : memref<!tpu.dma_semaphore, #tpu.memory_space<semaphore_mem>>)
        }
      } else {
      }
      %ge3A = arith.constant 2 : i32
      %ge3A_52 = arith.cmpi sge, %scan3A_45, %ge3A : i32
      %convert_element_type3A_53 = arith.extui %ge3A_52 : i1 to i32
      %cond3A_54 = arith.constant 0 : i32
      %cond3A_55 = arith.cmpi ne, %convert_element_type3A_53, %cond3A_54 : i32
      scf.if %cond3A_55 {
        %eq3A_60 = arith.constant 0 : i32
        %eq3A_61 = arith.cmpi eq, %rem3A_47, %eq3A_60 : i32
        %convert_element_type3A_62 = arith.extui %eq3A_61 : i1 to i32
        %cond3A_63 = arith.constant 0 : i32
        %cond3A_64 = arith.cmpi ne, %convert_element_type3A_62, %cond3A_63 : i32
        scf.if %cond3A_64 {
          %dma_wait3A_65 = arith.constant 0 : i32
          %dma_wait3A_66 = tpu.memref_slice %arg4[%dma_wait3A_65, %mul3A_20, %mul3A_22] : memref<50x64x16384xf32, #tpu.memory_space<hbm>> -> memref<1x8x4096xf32, #tpu.memory_space<hbm>>
          %dma_wait3A_67 = tpu.memref_squeeze %dma_wait3A_66 : memref<1x8x4096xf32, #tpu.memory_space<hbm>> -> memref<8x4096xf32, #tpu.memory_space<hbm>>
          %dma_wait3A_68 = tpu.memref_slice %arg4[%dma_wait3A_65, %mul3A_20, %mul3A_22] : memref<50x64x16384xf32, #tpu.memory_space<hbm>> -> memref<1x8x4096xf32, #tpu.memory_space<hbm>>
          %dma_wait3A_69 = tpu.memref_squeeze %dma_wait3A_68 : memref<1x8x4096xf32, #tpu.memory_space<hbm>> -> memref<8x4096xf32, #tpu.memory_space<hbm>>
          tpu.wait_dma2 semaphore(%arg13 : memref<!tpu.dma_semaphore, #tpu.memory_space<semaphore_mem>>) src(%arg9 : memref<8x4096xf32, #tpu.memory_space<vmem>>) dst(%dma_wait3A_69 : memref<8x4096xf32, #tpu.memory_space<hbm>>)
        } else {
          %dma_wait3A_65 = arith.constant 0 : i32
          %dma_wait3A_66 = tpu.memref_slice %arg4[%dma_wait3A_65, %mul3A_20, %mul3A_22] : memref<50x64x16384xf32, #tpu.memory_space<hbm>> -> memref<1x8x4096xf32, #tpu.memory_space<hbm>>
          %dma_wait3A_67 = tpu.memref_squeeze %dma_wait3A_66 : memref<1x8x4096xf32, #tpu.memory_space<hbm>> -> memref<8x4096xf32, #tpu.memory_space<hbm>>
          %dma_wait3A_68 = tpu.memref_slice %arg4[%dma_wait3A_65, %mul3A_20, %mul3A_22] : memref<50x64x16384xf32, #tpu.memory_space<hbm>> -> memref<1x8x4096xf32, #tpu.memory_space<hbm>>
          %dma_wait3A_69 = tpu.memref_squeeze %dma_wait3A_68 : memref<1x8x4096xf32, #tpu.memory_space<hbm>> -> memref<8x4096xf32, #tpu.memory_space<hbm>>
          tpu.wait_dma2 semaphore(%arg14 : memref<!tpu.dma_semaphore, #tpu.memory_space<semaphore_mem>>) src(%arg10 : memref<8x4096xf32, #tpu.memory_space<vmem>>) dst(%dma_wait3A_69 : memref<8x4096xf32, #tpu.memory_space<hbm>>)
        }
      } else {
      }
      %eq3A = arith.constant 0 : i32
      %eq3A_56 = arith.cmpi eq, %rem3A_47, %eq3A : i32
      %convert_element_type3A_57 = arith.extui %eq3A_56 : i1 to i32
      %cond3A_58 = arith.constant 0 : i32
      %cond3A_59 = arith.cmpi ne, %convert_element_type3A_57, %cond3A_58 : i32
      scf.if %cond3A_59 {
        %dma_wait3A_60 = arith.constant 0 : i32
        %dma_wait3A_61 = tpu.memref_slice %arg3[%dma_wait3A_60, %mul3A_22] : memref<50x16384xi32, #tpu.memory_space<hbm>> -> memref<1x4096xi32, #tpu.memory_space<hbm>>
        %dma_wait3A_62 = tpu.memref_squeeze %dma_wait3A_61 : memref<1x4096xi32, #tpu.memory_space<hbm>> -> memref<4096xi32, #tpu.memory_space<hbm>>
        %dma_wait3A_63 = tpu.memref_slice %arg3[%dma_wait3A_60, %mul3A_22] : memref<50x16384xi32, #tpu.memory_space<hbm>> -> memref<1x4096xi32, #tpu.memory_space<hbm>>
        %dma_wait3A_64 = tpu.memref_squeeze %dma_wait3A_63 : memref<1x4096xi32, #tpu.memory_space<hbm>> -> memref<4096xi32, #tpu.memory_space<hbm>>
        tpu.wait_dma2 semaphore(%arg11 : memref<!tpu.dma_semaphore, #tpu.memory_space<semaphore_mem>>) src(%dma_wait3A_64 : memref<4096xi32, #tpu.memory_space<hbm>>) dst(%arg7 : memref<4096xi32, #tpu.memory_space<vmem>>)
        %parallel_loop3A = arith.constant 0 : i32
        %parallel_loop3A_65 = arith.constant 256 : i32
        %parallel_loop3A_66 = arith.constant 1 : i32
        scf.for %parallel_loop3A_71 = %parallel_loop3A to %parallel_loop3A_65 step %parallel_loop3A_66  : i32 {
          %parallel_loop3A_72 = arith.constant 16 : i32
          %parallel_loop3A_73 = arith.muli %parallel_loop3A_71, %parallel_loop3A_72 : i32
          %parallel_loop3A_74 = arith.index_cast %parallel_loop3A_73 : i32 to index
          %parallel_loop3A_75 = tpu.vector_load %arg7[%parallel_loop3A_74] {strides = array<i32>} : memref<4096xi32, #tpu.memory_space<vmem>>, vector<16xi32>,
          %parallel_loop3A_76 = arith.constant 67 : i32
          %parallel_loop3A_77 = vector.broadcast %parallel_loop3A_76 : i32 to vector<16xi32>
          %parallel_loop3A_78 = arith.muli %parallel_loop3A_75, %parallel_loop3A_77 : vector<16xi32>
          %parallel_loop3A_79 = vector.broadcast %mul3A_20 : i32 to vector<16xi32>
          %parallel_loop3A_80 = arith.addi %parallel_loop3A_78, %parallel_loop3A_79 : vector<16xi32>
          %parallel_loop3A_81 = arith.constant 0 : i32
          %parallel_loop3A_82 = arith.constant 8 : i32
          %parallel_loop3A_83 = arith.constant 1 : i32
          scf.for %parallel_loop3A_84 = %parallel_loop3A_81 to %parallel_loop3A_82 step %parallel_loop3A_83  : i32 {
            %parallel_loop3A_85 = vector.broadcast %parallel_loop3A_84 : i32 to vector<16xi32>
            %parallel_loop3A_86 = arith.addi %parallel_loop3A_80, %parallel_loop3A_85 : vector<16xi32>
            %parallel_loop3A_87 = tpu.vector_load_idx %arg6[%parallel_loop3A_86] : memref<4355xf32, #tpu.memory_space<vmem>>[vector<16xi32>], vector<16xf32>,
            %parallel_loop3A_88 = arith.constant 16 : i32
            %parallel_loop3A_89 = arith.muli %parallel_loop3A_71, %parallel_loop3A_88 : i32
            %parallel_loop3A_90 = arith.index_cast %parallel_loop3A_84 : i32 to index
            %parallel_loop3A_91 = arith.index_cast %parallel_loop3A_89 : i32 to index
            %parallel_loop3A_92 = tpu.vector_load %arg9[%parallel_loop3A_90, %parallel_loop3A_91] {strides = array<i32>} : memref<8x4096xf32, #tpu.memory_space<vmem>>, vector<16xf32>,
            tpu.vector_store %arg9[%parallel_loop3A_90, %parallel_loop3A_91], %parallel_loop3A_87 {strides = array<i32>} : memref<8x4096xf32, #tpu.memory_space<vmem>>, vector<16xf32>,
          } {sc.loop_unroll_factor = 8 : i64, sc.parallel_access}
        } {sc.loop_unroll_factor = 4 : i64, sc.parallel_access}
        %dma_start3A_67 = tpu.memref_slice %arg4[%scan3A_45, %mul3A_20, %mul3A_22] : memref<50x64x16384xf32, #tpu.memory_space<hbm>> -> memref<1x8x4096xf32, #tpu.memory_space<hbm>>
        %dma_start3A_68 = tpu.memref_squeeze %dma_start3A_67 : memref<1x8x4096xf32, #tpu.memory_space<hbm>> -> memref<8x4096xf32, #tpu.memory_space<hbm>>
        %dma_start3A_69 = tpu.memref_slice %arg4[%scan3A_45, %mul3A_20, %mul3A_22] : memref<50x64x16384xf32, #tpu.memory_space<hbm>> -> memref<1x8x4096xf32, #tpu.memory_space<hbm>>
        %dma_start3A_70 = tpu.memref_squeeze %dma_start3A_69 : memref<1x8x4096xf32, #tpu.memory_space<hbm>> -> memref<8x4096xf32, #tpu.memory_space<hbm>>
        tpu.enqueue_dma source(%arg9 : memref<8x4096xf32, #tpu.memory_space<vmem>>) target(%dma_start3A_70 : memref<8x4096xf32, #tpu.memory_space<hbm>>) target_semaphore(%arg13 : memref<!tpu.dma_semaphore, #tpu.memory_space<semaphore_mem>>)
      } else {
        %dma_wait3A_60 = arith.constant 0 : i32
        %dma_wait3A_61 = tpu.memref_slice %arg3[%dma_wait3A_60, %mul3A_22] : memref<50x16384xi32, #tpu.memory_space<hbm>> -> memref<1x4096xi32, #tpu.memory_space<hbm>>
        %dma_wait3A_62 = tpu.memref_squeeze %dma_wait3A_61 : memref<1x4096xi32, #tpu.memory_space<hbm>> -> memref<4096xi32, #tpu.memory_space<hbm>>
        %dma_wait3A_63 = tpu.memref_slice %arg3[%dma_wait3A_60, %mul3A_22] : memref<50x16384xi32, #tpu.memory_space<hbm>> -> memref<1x4096xi32, #tpu.memory_space<hbm>>
        %dma_wait3A_64 = tpu.memref_squeeze %dma_wait3A_63 : memref<1x4096xi32, #tpu.memory_space<hbm>> -> memref<4096xi32, #tpu.memory_space<hbm>>
        tpu.wait_dma2 semaphore(%arg12 : memref<!tpu.dma_semaphore, #tpu.memory_space<semaphore_mem>>) src(%dma_wait3A_64 : memref<4096xi32, #tpu.memory_space<hbm>>) dst(%arg8 : memref<4096xi32, #tpu.memory_space<vmem>>)
        %parallel_loop3A = arith.constant 0 : i32
        %parallel_loop3A_65 = arith.constant 256 : i32
        %parallel_loop3A_66 = arith.constant 1 : i32
        scf.for %parallel_loop3A_71 = %parallel_loop3A to %parallel_loop3A_65 step %parallel_loop3A_66  : i32 {
          %parallel_loop3A_72 = arith.constant 16 : i32
          %parallel_loop3A_73 = arith.muli %parallel_loop3A_71, %parallel_loop3A_72 : i32
          %parallel_loop3A_74 = arith.index_cast %parallel_loop3A_73 : i32 to index
          %parallel_loop3A_75 = tpu.vector_load %arg8[%parallel_loop3A_74] {strides = array<i32>} : memref<4096xi32, #tpu.memory_space<vmem>>, vector<16xi32>,
          %parallel_loop3A_76 = arith.constant 67 : i32
          %parallel_loop3A_77 = vector.broadcast %parallel_loop3A_76 : i32 to vector<16xi32>
          %parallel_loop3A_78 = arith.muli %parallel_loop3A_75, %parallel_loop3A_77 : vector<16xi32>
          %parallel_loop3A_79 = vector.broadcast %mul3A_20 : i32 to vector<16xi32>
          %parallel_loop3A_80 = arith.addi %parallel_loop3A_78, %parallel_loop3A_79 : vector<16xi32>
          %parallel_loop3A_81 = arith.constant 0 : i32
          %parallel_loop3A_82 = arith.constant 8 : i32
          %parallel_loop3A_83 = arith.constant 1 : i32
          scf.for %parallel_loop3A_84 = %parallel_loop3A_81 to %parallel_loop3A_82 step %parallel_loop3A_83  : i32 {
            %parallel_loop3A_85 = vector.broadcast %parallel_loop3A_84 : i32 to vector<16xi32>
            %parallel_loop3A_86 = arith.addi %parallel_loop3A_80, %parallel_loop3A_85 : vector<16xi32>
            %parallel_loop3A_87 = tpu.vector_load_idx %arg6[%parallel_loop3A_86] : memref<4355xf32, #tpu.memory_space<vmem>>[vector<16xi32>], vector<16xf32>,
            %parallel_loop3A_88 = arith.constant 16 : i32
            %parallel_loop3A_89 = arith.muli %parallel_loop3A_71, %parallel_loop3A_88 : i32
            %parallel_loop3A_90 = arith.index_cast %parallel_loop3A_84 : i32 to index
            %parallel_loop3A_91 = arith.index_cast %parallel_loop3A_89 : i32 to index
            %parallel_loop3A_92 = tpu.vector_load %arg10[%parallel_loop3A_90, %parallel_loop3A_91] {strides = array<i32>} : memref<8x4096xf32, #tpu.memory_space<vmem>>, vector<16xf32>,
            tpu.vector_store %arg10[%parallel_loop3A_90, %parallel_loop3A_91], %parallel_loop3A_87 {strides = array<i32>} : memref<8x4096xf32, #tpu.memory_space<vmem>>, vector<16xf32>,
          } {sc.loop_unroll_factor = 8 : i64, sc.parallel_access}
        } {sc.loop_unroll_factor = 4 : i64, sc.parallel_access}
        %dma_start3A_67 = tpu.memref_slice %arg4[%scan3A_45, %mul3A_20, %mul3A_22] : memref<50x64x16384xf32, #tpu.memory_space<hbm>> -> memref<1x8x4096xf32, #tpu.memory_space<hbm>>
        %dma_start3A_68 = tpu.memref_squeeze %dma_start3A_67 : memref<1x8x4096xf32, #tpu.memory_space<hbm>> -> memref<8x4096xf32, #tpu.memory_space<hbm>>
        %dma_start3A_69 = tpu.memref_slice %arg4[%scan3A_45, %mul3A_20, %mul3A_22] : memref<50x64x16384xf32, #tpu.memory_space<hbm>> -> memref<1x8x4096xf32, #tpu.memory_space<hbm>>
        %dma_start3A_70 = tpu.memref_squeeze %dma_start3A_69 : memref<1x8x4096xf32, #tpu.memory_space<hbm>> -> memref<8x4096xf32, #tpu.memory_space<hbm>>
        tpu.enqueue_dma source(%arg10 : memref<8x4096xf32, #tpu.memory_space<vmem>>) target(%dma_start3A_70 : memref<8x4096xf32, #tpu.memory_space<hbm>>) target_semaphore(%arg14 : memref<!tpu.dma_semaphore, #tpu.memory_space<semaphore_mem>>)
      }
    }
    %scan3A_35 = arith.constant 50 : i32
    %dma_wait3A = arith.constant 0 : i32
    %dma_wait3A_36 = tpu.memref_slice %arg4[%dma_wait3A, %mul3A_20, %mul3A_22] : memref<50x64x16384xf32, #tpu.memory_space<hbm>> -> memref<1x8x4096xf32, #tpu.memory_space<hbm>>
    %dma_wait3A_37 = tpu.memref_squeeze %dma_wait3A_36 : memref<1x8x4096xf32, #tpu.memory_space<hbm>> -> memref<8x4096xf32, #tpu.memory_space<hbm>>
    %dma_wait3A_38 = tpu.memref_slice %arg4[%dma_wait3A, %mul3A_20, %mul3A_22] : memref<50x64x16384xf32, #tpu.memory_space<hbm>> -> memref<1x8x4096xf32, #tpu.memory_space<hbm>>
    %dma_wait3A_39 = tpu.memref_squeeze %dma_wait3A_38 : memref<1x8x4096xf32, #tpu.memory_space<hbm>> -> memref<8x4096xf32, #tpu.memory_space<hbm>>
    tpu.wait_dma2 semaphore(%arg13 : memref<!tpu.dma_semaphore, #tpu.memory_space<semaphore_mem>>) src(%arg9 : memref<8x4096xf32, #tpu.memory_space<vmem>>) dst(%dma_wait3A_39 : memref<8x4096xf32, #tpu.memory_space<hbm>>)
    %dma_wait3A_40 = arith.constant 0 : i32
    %dma_wait3A_41 = tpu.memref_slice %arg4[%dma_wait3A_40, %mul3A_20, %mul3A_22] : memref<50x64x16384xf32, #tpu.memory_space<hbm>> -> memref<1x8x4096xf32, #tpu.memory_space<hbm>>
    %dma_wait3A_42 = tpu.memref_squeeze %dma_wait3A_41 : memref<1x8x4096xf32, #tpu.memory_space<hbm>> -> memref<8x4096xf32, #tpu.memory_space<hbm>>
    %dma_wait3A_43 = tpu.memref_slice %arg4[%dma_wait3A_40, %mul3A_20, %mul3A_22] : memref<50x64x16384xf32, #tpu.memory_space<hbm>> -> memref<1x8x4096xf32, #tpu.memory_space<hbm>>
    %dma_wait3A_44 = tpu.memref_squeeze %dma_wait3A_43 : memref<1x8x4096xf32, #tpu.memory_space<hbm>> -> memref<8x4096xf32, #tpu.memory_space<hbm>>
    tpu.wait_dma2 semaphore(%arg14 : memref<!tpu.dma_semaphore, #tpu.memory_space<semaphore_mem>>) src(%arg10 : memref<8x4096xf32, #tpu.memory_space<vmem>>) dst(%dma_wait3A_44 : memref<8x4096xf32, #tpu.memory_space<hbm>>)
    return
  }
}

module attributes {stable_mosaic.version = 14 : i64} {
  func.func @_project_body(%arg0: memref<65x300xf32, #tpu.memory_space<vmem>>, %arg1: memref<64x300xf32, #tpu.memory_space<vmem>>, %arg2: memref<1x64xf32, #tpu.memory_space<vmem>>, %arg3: memref<65x128xf32, #tpu.memory_space<vmem>>) attributes {dimension_semantics = [], scalar_prefetch = 0 : i64, scratch_operands = 0 : i64, tpu.core_type = #tpu.core_type<tc>} {
    %get3A = arith.constant 0 : index
    %get3A_0 = arith.constant 0 : index
    %get3A_1 = vector.load %arg0[%get3A, %get3A_0] : memref<65x300xf32, #tpu.memory_space<vmem>>, vector<65x300xf32>
    %get3A_2 = arith.constant 0 : index
    %get3A_3 = arith.constant 0 : index
    %get3A_4 = vector.load %arg1[%get3A_2, %get3A_3] : memref<64x300xf32, #tpu.memory_space<vmem>>, vector<64x300xf32>
    %dot_general3A = arith.constant dense<0.000000e+00> : vector<65x64xf32>
    %dot_general3A_5 = tpu.matmul %get3A_1, %get3A_4, %dot_general3A {dimension_numbers = #tpu.dot_dimension_numbers<[1], [1], [0], [0], [0, 0, 1, 0], [], []>, transpose_lhs_hint = false} : vector<65x300xf32>, vector<64x300xf32>, vector<65x64xf32> -> vector<65x64xf32>
    %get3A_6 = arith.constant 0 : index
    %get3A_7 = arith.constant 0 : index
    %get3A_8 = vector.load %arg2[%get3A_6, %get3A_7] : memref<1x64xf32, #tpu.memory_space<vmem>>, vector<1x64xf32>
    %add3A = vector.broadcast %get3A_8 : vector<1x64xf32> to vector<65x64xf32>
    %add3A_9 = arith.addf %dot_general3A_5, %add3A : vector<65x64xf32>
    %jit3A = arith.constant 0 : i32
    %convert_element_type3A = arith.sitofp %jit3A : i32 to f32
    %pad3A = vector.broadcast %convert_element_type3A : f32 to vector<65x64xf32>
    %pad3A_10 = tpu.concatenate %add3A_9, %pad3A in 1 : vector<65x64xf32>, vector<65x64xf32> -> vector<65x128xf32>
    %swap3A = arith.constant 0 : index
    %swap3A_11 = arith.constant 0 : index
    %swap3A_12 = vector.load %arg3[%swap3A, %swap3A_11] : memref<65x128xf32, #tpu.memory_space<vmem>>, vector<65x128xf32>
    tpu.vector_store %arg3[%swap3A, %swap3A_11], %pad3A_10 {strides = array<i32>} : memref<65x128xf32, #tpu.memory_space<vmem>>, vector<65x128xf32>,
    return
  }
}

</mosaic_0001>

<sc_bundles>
// kernel: kernel.4.cloned.1.call-start
scs
__scs_entry_jumppad:
0x0: {  	(pc) =	sbr.rel $0x88, $3  }
0x1: {  	(tag) =	ssettag $0x0;
	lr =	simm.s32 $0x1  }
0x2: {  	[smem:$0x3F9D] =	sst lr;
	_ =	strace $0xD0000000  }
0x3: {  	_ = 	snop  }
0x4: {  	_ = 	snop  }
0x5: {  	_ = 	snop  }
0x6: {  	_ = 	snop  }
0x7: {  	_ = 	snop  }
__scs_overlays_trampoline_lowered:
0x8: {  	[smem:$0x3FAC] =	sst s0  }
0x9: {  	[smem:$0x3FAD] =	sst s1  }
0xa: {  	[smem:$0x3FAE] =	sst s2  }
0xb: {  	[smem:$0x3FAF] =	sst s3  }
0xc: {  	[smem:$0x3FB0] =	sst s4  }
0xd: {  	[smem:$0x3FB1] =	sst s5  }
0xe: {  	[smem:$0x3FB2] =	sst s6  }
0xf: {  	[smem:$0x3FB3] =	sst s7  }
0x10: {  	[smem:$0x3FB4] =	sst s8  }
0x11: {  	[smem:$0x3FB5] =	sst s9;
	s0 =	simm.s32 @!p0 $0x0  }
0x12: {  	s1 =	sld [smem:$0x3F9B];
	s0 =	simm.s32 @p0 $0x1  }
0x13: {  	[smem:$0x3FB6] =	sst s0;
	s0 =	simm.s32 @!p1 $0x0  }
0x14: {  	s2 =	sld [smem:$0x3F9A];
	s0 =	simm.s32 @p1 $0x1  }
0x15: {  	[smem:$0x3FB7] =	sst s0;
	s0 =	simm.s32 @!p2 $0x0  }
0x16: {  	s3 =	sld [smem:$0x3FDB];
	s0 =	simm.s32 @p2 $0x1  }
0x17: {  	s4 =	simm.s32 $0x1BF5;
	[smem:$0x3FB9] =	sst s0  }
0x18: {  	s0 =	sld [smem:$0x3F9C];
	_ =	swait.ge [sflag:s4], $0x0  }
0x19: {  	s7 =	sld [smem:$0x3F9D]  }
0x1a: {  	s8 =	sadd.s32 $0xFFFFE003, lr  }
0x1b: {  	s9 =	sadd.s32 $0xFFFFFEF7, lr;
	s5 =	simm.s32 $0xFFFFFFFF;
	p2 =	slt.u32 s8, $0xFFFFF086  }
0x1c: {  	p1 =	slt.u32 s9, $0xF7A;
	s5 =	simm.s32 @!p2 $0x0  }
0x1d: {  	s5 =	simm.s32 @p1 $0x1;
	p0 =	seq.s32 s7, s2  }
0x1e: {  	s7 =	smul.u32 @!p0 $0xF7A, s2;
	p2 =	seq.s32 @!p0 s5, $0x0  }
0x1f: {  	s9 =	smul.u32 $0xF7A, s1;
	s8 =	simm.s32 @!p0 $0x1BF5;
	p2 =	por !p2, p0  }
0x20: {  	[sflag:s8] =	ssyncset.s32 @!p0 $0xFFFFF086;
	s6 =	sadd.s32 @!p0 s3, s7;
	s7 =	simm.s32 @!p0 $0x108  }
0x21: {  	s3 =	sadd.s32 s3, s9;
	s6 =	sadd.s32 @!p0 $0x88, s6;
	s7 =	simm.s32 @p2 $0x1082  }
0x22: {  	[simem:s7], [sflag:s8] =	dma.local @!p0 [hbm:s6], $0xF7A  }
0x23: {  	s9 =	sor.u32 $0xD0000000, s2;
	s6 =	simm.s32 $0x108;
	_ =	swait.ge @!p0 [sflag:s8], $0x0  }
0x24: {  	s3 =	sadd.s32 $0x88, s3;
	s6 =	simm.s32 @!p1 $0x1082;
	[sflag:s4] =	ssyncset.s32 $0xFFFFF086  }
0x25: {  	[simem:s6], [sflag:s4] =	dma.local [hbm:s3], $0xF7A  }
0x26: {  	[smem:$0x3F9D] =	sst s1;
	(tag) =	ssettag s2;
	_ =	strace s9  }
0x27: {  	s1 =	sld [smem:$0x3FAD]  }
0x28: {  	s2 =	sld [smem:$0x3FAE]  }
0x29: {  	s4 =	sld [smem:$0x3FB0]  }
0x2a: {  	p0 =	seq.s32 s5, $0x0;
	s5 =	sld [smem:$0x3FB1]  }
0x2b: {  	s6 =	sld [smem:$0x3FB2]  }
0x2c: {  	s7 =	sld [smem:$0x3FB3]  }
0x2d: {  	s3 =	simm.s32 $0x108;
	s8 =	sld [smem:$0x3FB4]  }
0x2e: {  	s3 =	simm.s32 @!p0 $0x1082;
	s9 =	sld [smem:$0x3FB5]  }
0x2f: {  	lr =	sadd.s32 s0, s3;
	s0 =	sld [smem:$0x3FAC]  }
0x30: {  	s3 =	sld [smem:$0x3FAF]  }
0x31: {  	[smem:$0x3FB8] =	sst s10  }
0x32: {  	s10 =	sld [smem:$0x3FB6];
	_ =	sdelay $0x3  }
0x33: {  	p0 =	seq.s32 s10, $0x1;
	s10 =	sld [smem:$0x3FB8];
	_ =	sdelay $0x3  }
0x34: {  	[smem:$0x3FB8] =	sst s10  }
0x35: {  	s10 =	sld [smem:$0x3FB7];
	_ =	sdelay $0x3  }
0x36: {  	p1 =	seq.s32 s10, $0x1;
	s10 =	sld [smem:$0x3FB8];
	_ =	sdelay $0x3  }
0x37: {  	[smem:$0x3FB8] =	sst s10  }
0x38: {  	s10 =	sld [smem:$0x3FB9]  }
0x39: {  	_ = 	snop;
	(pc) =	sbr.ind lr, $3  }
0x3a: {  	_ = 	snop  }
0x3b: {  	_ = 	snop  }
0x3c: {  	p2 =	seq.s32 s10, $0x1;
	s10 =	sld [smem:$0x3FB8]  }
0x3d: {  	_ =	shalt  }
0x3e: {  	_ =	shalt  }
0x3f: {  	_ =	shalt  }
0x40: {  	_ =	shalt  }
0x41: {  	_ =	shalt  }
0x42: {  	_ =	shalt  }
0x43: {  	_ =	shalt  }
0x44: {  	_ =	shalt  }
0x45: {  	_ =	shalt  }
0x46: {  	_ =	shalt  }
0x47: {  	_ =	shalt  }
0x48: {  	_ =	shalt  }
0x49: {  	_ =	shalt  }
0x4a: {  	_ =	shalt  }
0x4b: {  	_ =	shalt  }
0x4c: {  	_ =	shalt  }
0x4d: {  	_ =	shalt  }
0x4e: {  	_ =	shalt  }
0x4f: {  	_ =	shalt  }
0x50: {  	_ =	shalt  }
0x51: {  	_ =	shalt  }
0x52: {  	_ =	shalt  }
0x53: {  	_ =	shalt  }
0x54: {  	_ =	shalt  }
0x55: {  	_ =	shalt  }
0x56: {  	_ =	shalt  }
0x57: {  	_ =	shalt  }
0x58: {  	_ =	shalt  }
0x59: {  	_ =	shalt  }
0x5a: {  	_ =	shalt  }
0x5b: {  	_ =	shalt  }
0x5c: {  	_ =	shalt  }
0x5d: {  	_ =	shalt  }
0x5e: {  	_ =	shalt  }
0x5f: {  	_ =	shalt  }
0x60: {  	_ =	shalt  }
0x61: {  	_ =	shalt  }
0x62: {  	_ =	shalt  }
0x63: {  	_ =	shalt  }
0x64: {  	_ =	shalt  }
0x65: {  	_ =	shalt  }
0x66: {  	_ =	shalt  }
0x67: {  	_ =	shalt  }
0x68: {  	_ =	shalt  }
0x69: {  	_ =	shalt  }
0x6a: {  	_ =	shalt  }
0x6b: {  	_ =	shalt  }
0x6c: {  	_ =	shalt  }
0x6d: {  	_ =	shalt  }
0x6e: {  	_ =	shalt  }
0x6f: {  	_ =	shalt  }
0x70: {  	_ =	shalt  }
0x71: {  	_ =	shalt  }
0x72: {  	_ =	shalt  }
0x73: {  	_ =	shalt  }
0x74: {  	_ =	shalt  }
0x75: {  	_ =	shalt  }
0x76: {  	_ =	shalt  }
0x77: {  	_ =	shalt  }
0x78: {  	_ =	shalt  }
0x79: {  	_ =	shalt  }
0x7a: {  	_ =	shalt  }
0x7b: {  	_ =	shalt  }
0x7c: {  	_ =	shalt  }
0x7d: {  	_ =	shalt  }
0x7e: {  	_ =	shalt  }
0x7f: {  	_ =	shalt  }
0x80: {  	_ =	shalt  }
0x81: {  	_ =	shalt  }
0x82: {  	_ =	shalt  }
0x83: {  	_ =	shalt  }
0x84: {  	_ =	shalt  }
0x85: {  	_ =	shalt  }
0x86: {  	_ =	shalt  }
0x87: {  	_ =	shalt  }
.Lfunc_end0:
.L_simem_size_0:
called_computation_lowered:
.L_overlay_start_0:
0x88: {  	s2 =	sld [smem:$0x3FD9]  }
0x89: {  	s3 =	sld [smem:$0x3FFE];
	_ =	sdelay $0x1  }
0x8a: {  	s1 =	srdreg.scid  }
0x8b: {  	s0 =	sand.u32 $0x1, s1  }
0x8c: {  	s17 =	sshll.u32 s0, $0xA;
	s2 =	sadd.s32 s3, s2  }
0x8d: {  	s2 =	sadd.s32 s2, s17  }
0x8e: {  	[smem:$0x3FC4] =	sst s2  }
0x8f: {  	_ = 	snop  }
0x90: {  	s2 =	sld [smem:$0x3FC9]  }
0x91: {  	s18 =	sld [smem:$0x3FD0];
	(tm) =	ssettm $0x1  }
0x92: {  	s4 =	sld [smem:$0x3FFB];
	_ =	sdelay $0x3  }
0x93: {  	_ =	strace s4  }
0x94: {  	s4 =	sld [smem:$0x3FFC];
	_ =	sdelay $0x3  }
0x95: {  	_ =	strace s4  }
0x96: {  	s4 =	sld [smem:$0x3FFD];
	_ =	sdelay $0x3  }
0x97: {  	_ =	strace s4  }
0x98: {  	_ =	strace $0x8FFFFFFF  }
0x99: {  	s19 =	sld [smem:$0x3FDB];
	_ =	sdelay $0x1  }
0x9a: {  	s5 =	simm.s32 $_scs_section_size  }
0x9b: {  	s6 =	simm.s32 $_size__tile_overlayer_lowered;
	s7 =	simm.s32 $_tile_overlayer_lowered  }
0x9c: {  	s22 =	simm.s32 $0x1BFF;
	s21 =	sshll.u32 s7, $0x1;
	s4 =	sadd.s32 s5, s19  }
0x9d: {  	s8 =	simm.s32 $0x0;
	s20 =	sshll.u32 s6, $0x1;
	s6 =	sadd.s32 s21, s4  }
0x9e: {  	[timem:s8], [sflag:s22] =	dma.local [hbm:s6], s20  }
0x9f: {  	_ =	swait.ge [sflag:s22], s20  }
0xa0: {  	s5 =	ssub.s32 $0x0, s20;
	[sflag:s22] =	ssyncset.done $0x0  }
0xa1: {  	[sflag:s22] =	ssyncadd.s32 s5;
	_ =	sdelay $0x1  }
0xa2: {  	s23 =	simm.s32 $0x1B8B  }
0xa3: {  	_ =	swait.ge [sflag:s23], $0x1  }
0xa4: {  	[sflag:s23] =	ssyncset.done $0x0  }
0xa5: {  	s25 =	simm.s32 $0x1B8E;
	s24 =	sld [smem:$0x3FFE];
	[sflag:s23] =	ssyncadd.s32 $0xFFFFFFFF  }
0xa6: {  	s26 =	simm.s32 $execute0_lowered;
	[smem:$0x3FD2] =	sst s25  }
0xa7: {  	s6 =	sshll.u32 s26, $0x1;
	_ =	strace $0x80000046;
	[dreg:$0x1] =	wrdreg $0xFFFFFFFF  }
0xa8: {  	s28 =	simm.s32 $_size_execute0_lowered;
	s4 =	sadd.s32 s4, s6;
	[dreg:$0x0] =	wrdreg $0x0  }
0xa9: {  	s6 =	sshll.u32 s28, $0x1;
	[dreg:$0x2] =	wrdreg s4  }
0xaa: {  	[dreg:$0x3] =	wrdreg s6  }
0xab: {  	[dreg:$0x4] =	wrdreg $0xC0  }
0xac: {  	_ =	task [dreg:s8], $0x5FFFF  }
0xad: {  	[dreg:$0x1] =	wrdreg $0xFFFFFFFF  }
0xae: {  	[dreg:$0x0] =	wrdreg $0x60  }
0xaf: {  	[dreg:$0x2] =	wrdreg s24  }
0xb0: {  	[dreg:$0x3] =	wrdreg s2  }
0xb1: {  	[dreg:$0x4] =	wrdreg s18  }
0xb2: {  	[dreg:$0x5] =	wrdreg $0x9  }
0xb3: {  	_ =	task.clear_ibuf [dreg:s8], $0x6FFFF;
	_ =	strace $0x90000046  }
0xb4: {  	s29 =	simm.s32 $0x9;
	_ =	strace $0x80000048  }
0xb5: {  	_ =	swait.ge [sflag:s29], $0x1  }
0xb6: {  	[sflag:s29] =	ssyncadd.s32 $0xFFFFFFFF  }
0xb7: {  	_ =	strace $0x90000048  }
0xb8: {  	_ =	sfence  }
0xb9: {  	s30 =	sld [smem:$0x0];
	_ =	sdelay $0x2  }
0xba: {  	s31 =	sshll.u32 s1, $0xD;
	s1 =	sshrl.u32 s1, $0x2  }
0xbb: {  	s3 =	sand.u32 $0x4000, s31;
	s1 =	sadd.s32 s1, s30  }
0xbc: {  	s0 =	sor.u32 s3, s0;
	s1 =	sshll.u32 s1, $0x11  }
0xbd: {  	s0 =	sor.u32 s1, s0  }
0xbe: {  	s0 =	sadd.s32 $0x8F2B, s0  }
0xbf: {  	[sflag:s0] =	ssyncadd.remote.s32 $0x1  }
0xc0: {  	_ =	sfence.sel $0xFFFF  }
0xc1: {  	[dreg:$0x0] =	wrdreg $0xFFFFFFFF;
	(pc) =	sbr.abs _section_cstart, $3  }
0xc2: {  	[dreg:$0x1] =	wrdreg $0xFFFFFFFF  }
0xc3: {  	_ =	task.clear_ibuf [dreg:s8], $0x2FFFF;
	_ =	strace $0x9FFFFFFF  }
0xc4: {  	(tm) =	ssettm $0x7FFFFFFF  }
0xc5: {  	_ =	shalt  }
tec
execute0_lowered:
.L_overlay_start_1:
0x0: {  	(tag) =	ssettag $0x1  }
0x1: {  	s0 =	rddreg [dreg:$0x0]  }
0x2: {  	s3 =	rddreg [dreg:$0x1]  }
0x3: {  	s1 =	simm.s32 $0x0;
	s28 =	srdreg.scid;
	s4 =	stileid.u32  }
0x4: {  	[smem:$0x7FF] =	sst s1;
	s0 =	sadd.s32 $0xC00, s0;
	s29 =	sand.u32 $0x1, s28  }
0x5: {  	s2 =	sshll.u32 s4, $0x1;
	s4 =	sshll.u32 s4, $0xD;
	_ =	strace $0x80000047  }
0x6: {  	[dreg:$0x4] =	wrdreg s0;
	s1 =	ssub.s32 $0x2, s29;
	s2 =	sand.u32 $0x6, s2  }
0x7: {  	s6 =	sand.u32 $0x18000, s4;
	s5 =	sshrl.u32 s1, $0x1;
	s0 =	sor.u32 s29, s2  }
.Ltmp0:
0x8: {  	s30 =	sshrl.u32 s6, $0x3;
	[dreg:$0x5] =	wrdreg s6;
	(pc) =	sbr.rel .LBB2_1-.Ltmp0, $4  }
0x9: {  	s1 =	ssub.s32 s1, s5;
	s31 =	sshll.u32 s0, $0x3;
	s2 =	sadd.s32 s3, s30  }
0xa: {  	s0 =	sshll.u32 s0, $0x11;
	[dreg:$0x6] =	wrdreg s2;
	s1 =	smax.u32 s1, $0x1  }
0xb: {  	s0 =	sor.u32 s0, s6;
	[dreg:$0x7] =	wrdreg s1  }
0xc: {  	s17 =	simm.s32 $0x2400;
	v0 =	vmov s31;
	s2 =	simm.s32 $0x0;
	[dreg:$0x8] =	wrdreg s0  }
.LBB2_15:
0xd: {  	s0 =	simm.s32 $0x3  }
0xe: {  	_ =	swait.ge [sflag:s0], $0x8000  }
0xf: {  	[sflag:s0] =	ssyncset.done $0x0  }
0x10: {  	s1 =	simm.s32 $0x4;
	[sflag:s0] =	ssyncadd.s32 $0xFFFF8000  }
0x11: {  	_ =	swait.ge [sflag:s1], $0x8000  }
0x12: {  	s2 =	rddreg [dreg:$0x9]  }
0x13: {  	s31 =	rddreg [dreg:$0x7];
	s2 =	sadd.s32 $0x1, s2  }
0x14: {  	p0 =	sne.s32 s2, s31  }
.Ltmp1:
0x15: {  	_ = 	snop;
	(pc) =	sbr.rel @!p0 .LBB2_16-.Ltmp1, $3  }
0x16: {  	_ =	sdelay $0x1  }
0x17: {  	[sflag:s1] =	ssyncset.done $0x0  }
0x18: {  	[sflag:s1] =	ssyncadd.s32 $0xFFFF8000  }
.LBB2_1:
0x19: {  	[dreg:$0x9] =	wrdreg s2  }
0x1a: {  	s0 =	simm.s32 $0x0;
	s1 =	rddreg [dreg:$0x4];
	s30 =	simm.s32 $0x5  }
0x1b: {  	[tilespmem:s0], [sflag:$0x5] =	stream.linear.gather [hbm4b:s1+s0], $0x2080, $0x38;
	[tilespmem:$0x15580] =	vst v63  }
0x1c: {  	_ =	swait.ge [sflag:s30], $0x2080  }
0x1d: {  	[sflag:s30] =	ssyncset.done $0x0  }
0x1e: {  	s31 =	simm.s32 $0x0;
	[sflag:s30] =	ssyncadd.s32 $0xFFFFDF80  }
0x1f: {  	v1 =	vld [tilespmem:s31+$0x0];
	_ =	sdelay $0x3  }
0x20: {  	s0 =	simm.s32 $0x2420  }
0x21: {  	[tilespmem:s0+$0xFFFFFFE0] =	vst v1  }
0x22: {  	v1 =	vld [tilespmem:s31+$0x10];
	_ =	sdelay $0x4  }
0x23: {  	[tilespmem:s0+$0xFFFFFFF0] =	vst v1  }
0x24: {  	v1 =	vld [tilespmem:s31+$0x20];
	_ =	sdelay $0x4  }
0x25: {  	[tilespmem:s0+$0x0] =	vst v1  }
0x26: {  	v1 =	vld [tilespmem:s31+$0x30];
	_ =	sdelay $0x4  }
0x27: {  	s2 =	simm.s32 $0x400;
	s1 =	simm.s32 $0x80;
	[tilespmem:s0+$0x10] =	vst v1  }
.LBB2_2:
0x28: {  	p0 =	sne.s32 s2, $0x8000;
	v1 =	vld [tilespmem:s1+$0x0];
	_ =	sdelay $0x3  }
0x29: {  	s0 =	sadd.s32 $0x43, s0  }
0x2a: {  	[tilespmem:s0+$0xFFFFFFE0] =	vst v1  }
0x2b: {  	v1 =	vld [tilespmem:s1+$0x10];
	_ =	sdelay $0x4  }
0x2c: {  	[tilespmem:s0+$0xFFFFFFF0] =	vst v1  }
0x2d: {  	v1 =	vld [tilespmem:s1+$0x20];
	_ =	sdelay $0x4  }
0x2e: {  	[tilespmem:s0+$0x0] =	vst v1  }
0x2f: {  	v1 =	vld [tilespmem:s1+$0x30]  }
.Ltmp2:
0x30: {  	(pc) =	sbr.rel @p0 .LBB2_2-.Ltmp2, $2  }
0x31: {  	_ =	sdelay $0x2  }
0x32: {  	s1 =	sshra.s32 s2, $0x2;
	s2 =	sadd.s32 $0x200, s2;
	[tilespmem:s0+$0x10] =	vst v1  }
0x33: {  	v1 =	vld [tilespmem:s1+$0x0];
	_ =	sdelay $0x3  }
0x34: {  	s0 =	sadd.s32 $0x43, s0  }
0x35: {  	[tilespmem:s0+$0xFFFFFFE0] =	vst v1  }
0x36: {  	v1 =	vld [tilespmem:s1+$0x10];
	_ =	sdelay $0x4  }
0x37: {  	[tilespmem:s0+$0xFFFFFFF0] =	vst v1  }
0x38: {  	v1 =	vld [tilespmem:s1+$0x20];
	_ =	sdelay $0x4  }
0x39: {  	[tilespmem:s0+$0x0] =	vst v1  }
0x3a: {  	v1 =	vld [tilespmem:s1+$0x30];
	_ =	sdelay $0x1  }
.Ltmp3:
0x3b: {  	_ = 	snop;
	(pc) =	sbr.rel .LBB2_4-.Ltmp3, $4  }
0x3c: {  	_ = 	snop  }
0x3d: {  	s30 =	rddreg [dreg:$0x6];
	s31 =	simm.s32 $0x80  }
0x3e: {  	s2 =	simm.s32 $0x400;
	s3 =	simm.s32 $0x3580;
	s24 =	simm.s32 $0x0;
	[tilespmem:s0+$0x10] =	vst v1  }
0x3f: {  	[tilespmem:s3], [sflag:$0x1] =	stream.strided.gather [hbm4b:s30+s31], $0x1000, s2, s31, $0x38;
	[tilespmem:$0x15580] =	vst v63  }
.LBB2_8:
0x40: {  	[tilespmem:s2+$0x5580] =	vst v12  }
0x41: {  	[tilespmem:s18+$0x5580] =	vst v8  }
0x42: {  	v4 =	vadd.s32 v0, v4;
	[tilespmem:s16+$0x5580] =	vst v6  }
0x43: {  	[tilespmem:s12+$0x5580] =	vst v7;
	v55 =	vadd.s32 $0x1, v4  }
0x44: {  	[tilespmem:s13+$0x80] =	vst v9;
	v56 =	vadd.s32 $0x2, v4  }
0x45: {  	v5 =	vld.idx.msk [tilespmem:v5+s17+$0x0], $0xffff;
	[tilespmem:s13+$0x100] =	vst v10;
	v57 =	vadd.s32 $0x3, v4  }
0x46: {  	v2 =	vld.idx.msk [tilespmem:v2+s17+$0x0], $0xffff;
	[tilespmem:s13+$0x180] =	vst v11;
	v58 =	vadd.s32 $0x4, v4  }
0x47: {  	v3 =	vld.idx.msk [tilespmem:v3+s17+$0x0], $0xffff;
	[tilespmem:s1+$0x5580] =	vst v13;
	v59 =	vadd.s32 $0x5, v4  }
0x48: {  	[tilespmem:s22+$0x5580] =	vst v14;
	v60 =	vadd.s32 $0x6, v4;
	v6 =	vld.idx.msk [tilespmem:v55+s17+$0x0], $0xffff  }
0x49: {  	[tilespmem:s13+$0x0] =	vst v1;
	v7 =	vld.idx.msk [tilespmem:v56+s17+$0x0], $0xffff  }
0x4a: {  	[tilespmem:s11+$0x5580] =	vst v5;
	v62 =	vld.idx.msk [tilespmem:v57+s17+$0x0], $0xffff  }
0x4b: {  	[tilespmem:s7+$0x0] =	vst v2;
	v2 =	vld.idx.msk [tilespmem:v58+s17+$0x0], $0xffff  }
0x4c: {  	v61 =	vadd.s32 $0x7, v4;
	[tilespmem:s19+$0x0] =	vst v3;
	v3 =	vld.idx.msk [tilespmem:v59+s17+$0x0], $0xffff  }
0x4d: {  	v1 =	vld.idx.msk [tilespmem:v60+s17+$0x0], $0xffff;
	[tilespmem:s29+$0x80] =	vst v6  }
0x4e: {  	[tilespmem:s29+$0x100] =	vst v7  }
0x4f: {  	[tilespmem:s29+$0x180] =	vst v62  }
0x50: {  	v4 =	vld.idx.msk [tilespmem:v4+s17+$0x0], $0xffff;
	[tilespmem:s4+$0x5580] =	vst v2  }
0x51: {  	v63 =	vld.idx.msk [tilespmem:v61+s17+$0x0], $0xffff;
	[tilespmem:s31+$0x5580] =	vst v3  }
0x52: {  	[tilespmem:s0+$0x5580] =	vst v1  }
0x53: {  	s28 =	sshll.u32 s24, $0x14;
	s0 =	rddreg [dreg:$0x8]  }
0x54: {  	s0 =	sor.u32 s0, s28  }
0x55: {  	[tilespmem:s29+$0x0] =	vst v4;
	s29 =	rddreg [dreg:$0x2];
	s0 =	sshrl.u32 s0, $0x3  }
0x56: {  	s31 =	simm.s32 $0x5580;
	[tilespmem:s30+$0x5580] =	vst v63;
	s30 =	simm.s32 $0x0;
	s0 =	sadd.s32 s29, s0  }
0x57: {  	[hbm4b:s0+s30] =	stream.linear.scatter [tilespmem:s31], [sflag:$0x3], $0x8000, $0x38;
	[tilespmem:$0x15580] =	vst v63  }
.LBB2_14:
0x58: {  	p0 =	sne.s32 s23, $0x32  }
.Ltmp4:
0x59: {  	_ = 	snop;
	(pc) =	sbr.rel @!p0 .LBB2_15-.Ltmp4, $2  }
0x5a: {  	_ =	sdelay $0x2  }
0x5b: {  	s24 =	smov.u32 s23  }
.LBB2_4:
0x5c: {  	p0 =	seq.s32 s24, $0x31  }
.Ltmp5:
0x5d: {  	_ = 	snop;
	(pc) =	sbr.rel @!p0 .LBB2_5-.Ltmp5, $2  }
0x5e: {  	_ =	sdelay $0x2  }
0x5f: {  	s23 =	sadd.s32 $0x1, s24  }
.LBB2_10:
0x60: {  	s0 =	simm.s32 $0x4  }
0x61: {  	_ =	swait.ge [sflag:s0], $0x8000  }
0x62: {  	[sflag:s0] =	ssyncset.done $0x0  }
0x63: {  	[sflag:s0] =	ssyncadd.s32 $0xFFFF8000  }
.LBB2_11:
0x64: {  	s25 =	simm.s32 $0x0;
	s2 =	simm.s32 $0x2  }
0x65: {  	_ =	swait.ge [sflag:s2], $0x1000;
	s0 =	sand.u32 $0x40, s25;
	s1 =	sand.u32 $0xF80, s25  }
0x66: {  	[sflag:s2] =	ssyncset.done $0x0;
	s1 =	sadd.s32 $0x4580, s1;
	s5 =	sor.u32 $0x30, s0  }
0x67: {  	s18 =	sor.u32 $0x10, s0;
	[sflag:s2] =	ssyncadd.s32 $0xFFFFF000;
	s3 =	sor.u32 s5, s1  }
0x68: {  	s4 =	sor.u32 s18, s1;
	v1 =	vld [tilespmem:s3+$0x0]  }
0x69: {  	v2 =	vld [tilespmem:s4+$0x0];
	_ =	sdelay $0x3  }
0x6a: {  	v1 =	vmul.u32 $0x43, v1  }
0x6b: {  	s19 =	sor.u32 $0x20, s0;
	v2 =	vmul.u32 $0x43, v2  }
0x6c: {  	s1 =	sor.u32 s19, s1;
	v4 =	vadd.s32 v0, v1  }
0x6d: {  	v3 =	vld [tilespmem:s1+$0x0];
	v2 =	vadd.s32 v0, v2;
	v5 =	vadd.s32 $0x7, v4  }
0x6e: {  	v6 =	vadd.s32 $0x1, v2  }
0x6f: {  	s26 =	simm.s32 $0x4580;
	v7 =	vadd.s32 $0x2, v2  }
0x70: {  	v14 =	vld [tilespmem:s26+$0x0];
	v8 =	vadd.s32 $0x3, v2  }
0x71: {  	v9 =	vadd.s32 $0x4, v2;
	v1 =	vld.idx.msk [tilespmem:v4+s17+$0x0], $0xffff  }
0x72: {  	v3 =	vmul.u32 $0x43, v3;
	v10 =	vadd.s32 $0x5, v2;
	v5 =	vld.idx.msk [tilespmem:v5+s17+$0x0], $0xffff  }
0x73: {  	v11 =	vadd.s32 $0x6, v2;
	v6 =	vld.idx.msk [tilespmem:v6+s17+$0x0], $0xffff  }
0x74: {  	v3 =	vadd.s32 v0, v3;
	v12 =	vadd.s32 $0x7, v2;
	v7 =	vld.idx.msk [tilespmem:v7+s17+$0x0], $0xffff  }
0x75: {  	p0 =	por $0x0, $0x0;
	s1 =	simm.s32 $0x1;
	v13 =	vadd.s32 $0x1, v3;
	v15 =	vld.idx.msk [tilespmem:v8+s17+$0x0], $0xffff  }
0x76: {  	s1 =	simm.s32 @!p0 $0x0;
	v16 =	vadd.s32 $0x3, v3;
	v9 =	vld.idx.msk [tilespmem:v9+s17+$0x0], $0xffff  }
0x77: {  	s1 =	sshll.u32 s1, $0x6;
	v8 =	vadd.s32 $0x2, v3;
	v10 =	vld.idx.msk [tilespmem:v10+s17+$0x0], $0xffff  }
0x78: {  	s20 =	sadd.s32 $0x0, s1;
	v17 =	vadd.s32 $0x4, v3;
	v11 =	vld.idx.msk [tilespmem:v11+s17+$0x0], $0xffff  }
0x79: {  	s6 =	sadd.s32 $0x30, s20;
	v18 =	vadd.s32 $0x5, v3;
	v19 =	vld.idx.msk [tilespmem:v12+s17+$0x0], $0xffff  }
0x7a: {  	s1 =	sadd.s32 $0x10, s20;
	s7 =	sor.u32 $0x380, s6;
	v22 =	vadd.s32 $0x1, v4;
	v13 =	vld.idx.msk [tilespmem:v13+s17+$0x0], $0xffff  }
0x7b: {  	s10 =	sor.u32 $0x200, s1;
	v23 =	vadd.s32 $0x2, v4;
	v16 =	vld.idx.msk [tilespmem:v16+s17+$0x0], $0xffff;
	[tilespmem:s7+$0xD580] =	vst v5  }
0x7c: {  	s11 =	sor.u32 $0x280, s1;
	v61 =	vadd.s32 $0x3, v4;
	v5 =	vld.idx.msk [tilespmem:v8+s17+$0x0], $0xffff;
	[tilespmem:s10+$0xD580] =	vst v9  }
0x7d: {  	s8 =	sand.u32 $0x7C00, s25;
	s22 =	sor.u32 $0x300, s1;
	v62 =	vadd.s32 $0x4, v4;
	v12 =	vld.idx.msk [tilespmem:v17+s17+$0x0], $0xffff;
	[tilespmem:s11+$0xD580] =	vst v10  }
0x7e: {  	s8 =	sadd.s32 $0xD580, s8;
	s13 =	sor.u32 $0x380, s1;
	v20 =	vadd.s32 $0x6, v3;
	v8 =	vld.idx.msk [tilespmem:v18+s17+$0x0], $0xffff;
	[tilespmem:s22+$0xD580] =	vst v11  }
0x7f: {  	s19 =	sor.u32 s19, s8;
	v21 =	vadd.s32 $0x7, v3;
	v9 =	vld.idx.msk [tilespmem:v22+s17+$0x0], $0xffff;
	[tilespmem:s13+$0xD580] =	vst v19  }
0x80: {  	s28 =	simm.s32 $0x0;
	s29 =	sor.u32 s0, s8;
	v63 =	vadd.s32 $0x5, v4;
	v10 =	vld.idx.msk [tilespmem:v23+s17+$0x0], $0xffff;
	[tilespmem:s19+$0x80] =	vst v13  }
0x81: {  	s21 =	sadd.s32 $0x20, s20;
	s4 =	sor.u32 $0x200, s20;
	s31 =	sor.u32 $0x280, s20;
	v11 =	vld.idx.msk [tilespmem:v61+s17+$0x0], $0xffff;
	[tilespmem:s19+$0x100] =	vst v5;
	v5 =	vadd.s32 $0x6, v4  }
0x82: {  	s0 =	sor.u32 $0x300, s20;
	s30 =	sor.u32 $0x380, s20;
	s7 =	sor.u32 s18, s8;
	v13 =	vld.idx.msk [tilespmem:v62+s17+$0x0], $0xffff;
	[tilespmem:s19+$0x180] =	vst v16  }
0x83: {  	s2 =	sor.u32 $0x200, s21;
	s16 =	sor.u32 $0x300, s21;
	s12 =	sor.u32 $0x380, s21;
	[tilespmem:s7+$0x80] =	vst v6;
	v6 =	vld.idx.msk [tilespmem:v20+s17+$0x0], $0xffff  }
0x84: {  	s1 =	sor.u32 $0x200, s6;
	s18 =	sor.u32 $0x280, s21;
	s22 =	sor.u32 $0x280, s6;
	[tilespmem:s7+$0x100] =	vst v7;
	v7 =	vld.idx.msk [tilespmem:v21+s17+$0x0], $0xffff  }
0x85: {  	s11 =	sor.u32 $0x300, s6;
	s13 =	sor.u32 s5, s8;
	s5 =	simm.s32 $0x40;
	[tilespmem:s7+$0x180] =	vst v15;
	v4 =	vmul.u32 $0x43, v14;
	v14 =	vld.idx.msk [tilespmem:v63+s17+$0x0], $0xffff  }
.LBB2_12:
0x86: {  	s10 =	sand.u32 $0x40, s5;
	s3 =	sand.u32 $0xF80, s5;
	s28 =	sadd.s32 $0x4, s28;
	[tilespmem:s2+$0xD580] =	vst v12;
	v5 =	vld.idx.msk [tilespmem:v5+s17+$0x0], $0xffff  }
0x87: {  	s2 =	sadd.s32 $0x4580, s3;
	s8 =	sor.u32 $0x30, s10;
	p1 =	slt.u32 s28, $0xFC;
	v12 =	vadd.s32 v0, v4;
	v2 =	vld.idx.msk [tilespmem:v2+s17+$0x0], $0xffff;
	[tilespmem:s18+$0xD580] =	vst v8  }
0x88: {  	s21 =	sor.u32 $0x10, s10;
	s20 =	sor.u32 $0x20, s10;
	s3 =	sor.u32 s8, s2;
	v8 =	vadd.s32 $0x1, v12;
	v3 =	vld.idx.msk [tilespmem:v3+s17+$0x0], $0xffff;
	[tilespmem:s16+$0xD580] =	vst v6  }
0x89: {  	s6 =	sor.u32 s21, s2;
	s2 =	sor.u32 s20, s2;
	v15 =	vadd.s32 $0x2, v12;
	v6 =	vld [tilespmem:s3+$0x0];
	[tilespmem:s12+$0xD580] =	vst v7  }
0x8a: {  	v16 =	vadd.s32 $0x3, v12;
	v7 =	vld [tilespmem:s6+$0x0];
	[tilespmem:s13+$0x80] =	vst v9  }
0x8b: {  	s26 =	sadd.s32 $0x40, s26;
	v17 =	vadd.s32 $0x4, v12;
	v9 =	vld [tilespmem:s2+$0x0];
	[tilespmem:s13+$0x100] =	vst v10  }
0x8c: {  	v10 =	vadd.s32 $0x5, v12;
	v4 =	vld [tilespmem:s26+$0x0];
	[tilespmem:s13+$0x180] =	vst v11  }
0x8d: {  	v11 =	vadd.s32 $0x6, v12;
	v8 =	vld.idx.msk [tilespmem:v8+s17+$0x0], $0xffff;
	[tilespmem:s1+$0xD580] =	vst v13  }
0x8e: {  	v6 =	vmul.u32 $0x43, v6;
	v13 =	vld.idx.msk [tilespmem:v15+s17+$0x0], $0xffff;
	v15 =	vadd.s32 $0x7, v12;
	[tilespmem:s22+$0xD580] =	vst v14  }
0x8f: {  	v7 =	vmul.u32 $0x43, v7;
	v14 =	vld.idx.msk [tilespmem:v16+s17+$0x0], $0xffff;
	[tilespmem:s11+$0xD580] =	vst v5  }
0x90: {  	v5 =	vmul.u32 $0x43, v9;
	v6 =	vadd.s32 v0, v6;
	v9 =	vld.idx.msk [tilespmem:v17+s17+$0x0], $0xffff;
	[tilespmem:s7+$0x0] =	vst v2  }
0x91: {  	v2 =	vadd.s32 v0, v7;
	v16 =	vadd.s32 $0x1, v6;
	v7 =	vadd.s32 $0x7, v6;
	v10 =	vld.idx.msk [tilespmem:v10+s17+$0x0], $0xffff;
	[tilespmem:s19+$0x0] =	vst v3  }
0x92: {  	v17 =	vadd.s32 $0x1, v2;
	v18 =	vadd.s32 $0x2, v2;
	v3 =	vadd.s32 v0, v5;
	v11 =	vld.idx.msk [tilespmem:v11+s17+$0x0], $0xffff;
	[tilespmem:s13+$0x0] =	vst v1  }
0x93: {  	v19 =	vadd.s32 $0x3, v2;
	v20 =	vadd.s32 $0x4, v2;
	v21 =	vadd.s32 $0x5, v2;
	[tilespmem:s29+$0x80] =	vst v8;
	v8 =	vld.idx.msk [tilespmem:v15+s17+$0x0], $0xffff  }
0x94: {  	v22 =	vadd.s32 $0x7, v2;
	v15 =	vadd.s32 $0x6, v2;
	v23 =	vadd.s32 $0x1, v3;
	v12 =	vld.idx.msk [tilespmem:v12+s17+$0x0], $0xffff;
	[tilespmem:s29+$0x100] =	vst v13  }
0x95: {  	v24 =	vadd.s32 $0x3, v3;
	v25 =	vadd.s32 $0x4, v3;
	v13 =	vadd.s32 $0x2, v3;
	v1 =	vld.idx.msk [tilespmem:v6+s17+$0x0], $0xffff;
	[tilespmem:s29+$0x180] =	vst v14  }
0x96: {  	p0 =	por !p0, !p0;
	s1 =	simm.s32 $0x1;
	v26 =	vadd.s32 $0x6, v3;
	v27 =	vadd.s32 $0x7, v3;
	v14 =	vadd.s32 $0x5, v3;
	v7 =	vld.idx.msk [tilespmem:v7+s17+$0x0], $0xffff;
	[tilespmem:s4+$0xD580] =	vst v9  }
0x97: {  	s1 =	simm.s32 @!p0 $0x0;
	v28 =	vadd.s32 $0x3, v6;
	v29 =	vadd.s32 $0x4, v6;
	v9 =	vld.idx.msk [tilespmem:v17+s17+$0x0], $0xffff;
	v17 =	vadd.s32 $0x2, v6;
	[tilespmem:s31+$0xD580] =	vst v10  }
0x98: {  	s25 =	sadd.s32 $0x200, s25;
	s1 =	sshll.u32 s1, $0x6;
	v5 =	vadd.s32 $0x6, v6;
	v10 =	vld.idx.msk [tilespmem:v18+s17+$0x0], $0xffff;
	v18 =	vadd.s32 $0x5, v6;
	[tilespmem:s0+$0xD580] =	vst v11  }
0x99: {  	s3 =	sadd.s32 s1, s25;
	s0 =	sand.u32 $0x7C00, s25;
	v11 =	vld.idx.msk [tilespmem:v19+s17+$0x0], $0xffff;
	[tilespmem:s30+$0xD580] =	vst v8  }
0x9a: {  	s1 =	sadd.s32 $0x10, s3;
	s6 =	sadd.s32 $0x30, s3;
	s4 =	sadd.s32 $0x20, s3;
	v6 =	vld.idx.msk [tilespmem:v20+s17+$0x0], $0xffff;
	[tilespmem:s29+$0x0] =	vst v12  }
0x9b: {  	s7 =	sor.u32 $0x200, s1;
	s13 =	sadd.s32 $0xD580, s0;
	s0 =	sor.u32 $0x380, s6;
	v8 =	vld.idx.msk [tilespmem:v21+s17+$0x0], $0xffff  }
0x9c: {  	s14 =	sor.u32 $0x280, s1;
	s9 =	sor.u32 $0x300, s1;
	s15 =	sor.u32 $0x380, s1;
	v15 =	vld.idx.msk [tilespmem:v15+s17+$0x0], $0xffff;
	[tilespmem:s0+$0xD580] =	vst v7  }
0x9d: {  	s2 =	sor.u32 $0x200, s4;
	s18 =	sor.u32 $0x280, s4;
	s16 =	sor.u32 $0x300, s4;
	v19 =	vld.idx.msk [tilespmem:v22+s17+$0x0], $0xffff  }
0x9e: {  	s1 =	sor.u32 $0x200, s6;
	s22 =	sor.u32 $0x280, s6;
	s12 =	sor.u32 $0x380, s4;
	v20 =	vld.idx.msk [tilespmem:v23+s17+$0x0], $0xffff  }
0x9f: {  	s11 =	sor.u32 $0x300, s6;
	s4 =	sor.u32 $0x200, s3;
	s31 =	sor.u32 $0x280, s3;
	v13 =	vld.idx.msk [tilespmem:v13+s17+$0x0], $0xffff  }
0xa0: {  	s30 =	sor.u32 $0x380, s3;
	s29 =	sor.u32 s10, s13;
	s0 =	sor.u32 $0x300, s3;
	[tilespmem:s7+$0xD580] =	vst v6;
	v21 =	vld.idx.msk [tilespmem:v24+s17+$0x0], $0xffff  }
0xa1: {  	s19 =	sor.u32 s20, s13;
	s7 =	sor.u32 s21, s13;
	s13 =	sor.u32 s8, s13;
	[tilespmem:s14+$0xD580] =	vst v8;
	v12 =	vld.idx.msk [tilespmem:v25+s17+$0x0], $0xffff  }
0xa2: {  	[tilespmem:s7+$0x80] =	vst v9;
	v8 =	vld.idx.msk [tilespmem:v14+s17+$0x0], $0xffff  }
0xa3: {  	[tilespmem:s7+$0x100] =	vst v10;
	v6 =	vld.idx.msk [tilespmem:v26+s17+$0x0], $0xffff  }
0xa4: {  	[tilespmem:s7+$0x180] =	vst v11;
	v7 =	vld.idx.msk [tilespmem:v27+s17+$0x0], $0xffff  }
.Ltmp6:
0xa5: {  	[tilespmem:s9+$0xD580] =	vst v15;
	v9 =	vld.idx.msk [tilespmem:v16+s17+$0x0], $0xffff;
	(pc) =	sbr.rel @p1 .LBB2_12-.Ltmp6, $4  }
0xa6: {  	[tilespmem:s15+$0xD580] =	vst v19;
	v10 =	vld.idx.msk [tilespmem:v17+s17+$0x0], $0xffff  }
0xa7: {  	[tilespmem:s19+$0x80] =	vst v20;
	v11 =	vld.idx.msk [tilespmem:v28+s17+$0x0], $0xffff  }
0xa8: {  	[tilespmem:s19+$0x100] =	vst v13;
	v13 =	vld.idx.msk [tilespmem:v29+s17+$0x0], $0xffff  }
0xa9: {  	s5 =	sadd.s32 $0x40, s5;
	v4 =	vmul.u32 $0x43, v4;
	[tilespmem:s19+$0x180] =	vst v21;
	v14 =	vld.idx.msk [tilespmem:v18+s17+$0x0], $0xffff  }
0xaa: {  	[tilespmem:s2+$0xD580] =	vst v12  }
0xab: {  	[tilespmem:s18+$0xD580] =	vst v8  }
0xac: {  	[tilespmem:s16+$0xD580] =	vst v6;
	v4 =	vadd.s32 v0, v4  }
0xad: {  	[tilespmem:s12+$0xD580] =	vst v7;
	v55 =	vadd.s32 $0x1, v4  }
0xae: {  	[tilespmem:s13+$0x80] =	vst v9;
	v56 =	vadd.s32 $0x2, v4  }
0xaf: {  	v5 =	vld.idx.msk [tilespmem:v5+s17+$0x0], $0xffff;
	[tilespmem:s13+$0x0] =	vst v1;
	v57 =	vadd.s32 $0x3, v4  }
0xb0: {  	v2 =	vld.idx.msk [tilespmem:v2+s17+$0x0], $0xffff;
	[tilespmem:s13+$0x100] =	vst v10;
	v58 =	vadd.s32 $0x4, v4  }
0xb1: {  	v3 =	vld.idx.msk [tilespmem:v3+s17+$0x0], $0xffff;
	[tilespmem:s13+$0x180] =	vst v11;
	v59 =	vadd.s32 $0x5, v4  }
0xb2: {  	v60 =	vadd.s32 $0x6, v4;
	[tilespmem:s1+$0xD580] =	vst v13;
	v6 =	vld.idx.msk [tilespmem:v55+s17+$0x0], $0xffff  }
0xb3: {  	[tilespmem:s22+$0xD580] =	vst v14;
	v7 =	vld.idx.msk [tilespmem:v56+s17+$0x0], $0xffff  }
0xb4: {  	[tilespmem:s11+$0xD580] =	vst v5;
	v62 =	vld.idx.msk [tilespmem:v57+s17+$0x0], $0xffff  }
0xb5: {  	[tilespmem:s7+$0x0] =	vst v2;
	v2 =	vld.idx.msk [tilespmem:v58+s17+$0x0], $0xffff  }
0xb6: {  	v61 =	vadd.s32 $0x7, v4;
	[tilespmem:s19+$0x0] =	vst v3;
	v3 =	vld.idx.msk [tilespmem:v59+s17+$0x0], $0xffff  }
0xb7: {  	v1 =	vld.idx.msk [tilespmem:v60+s17+$0x0], $0xffff;
	[tilespmem:s29+$0x80] =	vst v6  }
0xb8: {  	[tilespmem:s29+$0x100] =	vst v7  }
0xb9: {  	[tilespmem:s29+$0x180] =	vst v62  }
0xba: {  	v4 =	vld.idx.msk [tilespmem:v4+s17+$0x0], $0xffff;
	[tilespmem:s4+$0xD580] =	vst v2  }
0xbb: {  	v63 =	vld.idx.msk [tilespmem:v61+s17+$0x0], $0xffff;
	[tilespmem:s31+$0xD580] =	vst v3  }
0xbc: {  	[tilespmem:s0+$0xD580] =	vst v1  }
.Ltmp7:
0xbd: {  	s28 =	sshll.u32 s24, $0x14;
	s0 =	rddreg [dreg:$0x8];
	(pc) =	sbr.rel .LBB2_14-.Ltmp7, $4  }
0xbe: {  	s0 =	sor.u32 s0, s28  }
0xbf: {  	[tilespmem:s29+$0x0] =	vst v4;
	s29 =	rddreg [dreg:$0x2];
	s0 =	sshrl.u32 s0, $0x3  }
0xc0: {  	s31 =	simm.s32 $0xD580;
	[tilespmem:s30+$0xD580] =	vst v63;
	s30 =	simm.s32 $0x0;
	s0 =	sadd.s32 s29, s0  }
0xc1: {  	[hbm4b:s0+s30] =	stream.linear.scatter [tilespmem:s31], [sflag:$0x4], $0x8000, $0x38;
	[tilespmem:$0x15580] =	vst v63  }
.LBB2_5:
0xc2: {  	s0 =	sand.u32 $0x1, s24  }
0xc3: {  	p1 =	seq.s32 s0, $0x1  }
.Ltmp8:
0xc4: {  	_ = 	snop;
	(pc) =	sbr.rel @p1 .LBB2_9-.Ltmp8, $2  }
0xc5: {  	_ =	sdelay $0x2  }
0xc6: {  	s1 =	sshll.u32 s23, $0x7;
	p0 =	sgt.u32 s24, $0x1;
	s0 =	sshll.u32 s23, $0xE  }
0xc7: {  	s1 =	sand.u32 $0x380, s1;
	s0 =	sand.u32 $0xE0000, s0  }
0xc8: {  	s5 =	rddreg [dreg:$0x5];
	s0 =	sor.u32 s0, s1  }
0xc9: {  	s0 =	sor.u32 s5, s0  }
0xca: {  	s6 =	rddreg [dreg:$0x1];
	s7 =	simm.s32 $0x80;
	s0 =	sshrl.u32 s0, $0x3  }
0xcb: {  	s2 =	simm.s32 $0x400;
	s3 =	simm.s32 $0x4580;
	s0 =	sadd.s32 s6, s0  }
0xcc: {  	[tilespmem:s3], [sflag:$0x2] =	stream.strided.gather [hbm4b:s0+s7], $0x1000, s2, s7, $0x38;
	[tilespmem:$0x15580] =	vst v63  }
0xcd: {  	s0 =	simm.s32 @p0 $0x3  }
0xce: {  	_ =	swait.ge @p0 [sflag:s0], $0x8000  }
0xcf: {  	[sflag:s0] =	ssyncset.done @p0 $0x0  }
0xd0: {  	s25 =	simm.s32 $0x0;
	s8 =	simm.s32 $0x1;
	[sflag:s0] =	ssyncadd.s32 @p0 $0xFFFF8000  }
0xd1: {  	s9 =	sand.u32 $0x40, s25;
	s13 =	sand.u32 $0xF80, s25;
	_ =	swait.ge [sflag:s8], $0x1000  }
0xd2: {  	s1 =	sadd.s32 $0x3580, s13;
	s5 =	sor.u32 $0x30, s9;
	[sflag:s8] =	ssyncset.done $0x0  }
0xd3: {  	s14 =	sor.u32 $0x10, s9;
	s4 =	sor.u32 s5, s1;
	[sflag:s8] =	ssyncadd.s32 $0xFFFFF000  }
0xd4: {  	s7 =	sor.u32 s14, s1;
	v1 =	vld [tilespmem:s4+$0x0]  }
0xd5: {  	v2 =	vld [tilespmem:s7+$0x0];
	_ =	sdelay $0x3  }
0xd6: {  	v1 =	vmul.u32 $0x43, v1  }
0xd7: {  	s15 =	sor.u32 $0x20, s9;
	v2 =	vmul.u32 $0x43, v2  }
0xd8: {  	s1 =	sor.u32 s15, s1;
	v4 =	vadd.s32 v0, v1  }
0xd9: {  	v3 =	vld [tilespmem:s1+$0x0];
	v2 =	vadd.s32 v0, v2;
	v5 =	vadd.s32 $0x7, v4  }
0xda: {  	v6 =	vadd.s32 $0x1, v2  }
0xdb: {  	s26 =	simm.s32 $0x3580;
	v7 =	vadd.s32 $0x2, v2  }
0xdc: {  	v14 =	vld [tilespmem:s26+$0x0];
	v8 =	vadd.s32 $0x3, v2  }
0xdd: {  	v9 =	vadd.s32 $0x4, v2;
	v1 =	vld.idx.msk [tilespmem:v4+s17+$0x0], $0xffff  }
0xde: {  	v3 =	vmul.u32 $0x43, v3;
	v10 =	vadd.s32 $0x5, v2;
	v5 =	vld.idx.msk [tilespmem:v5+s17+$0x0], $0xffff  }
0xdf: {  	v11 =	vadd.s32 $0x6, v2;
	v6 =	vld.idx.msk [tilespmem:v6+s17+$0x0], $0xffff  }
0xe0: {  	v3 =	vadd.s32 v0, v3;
	v12 =	vadd.s32 $0x7, v2;
	v7 =	vld.idx.msk [tilespmem:v7+s17+$0x0], $0xffff  }
0xe1: {  	p0 =	por $0x0, $0x0;
	s1 =	simm.s32 $0x1;
	v13 =	vadd.s32 $0x1, v3;
	v15 =	vld.idx.msk [tilespmem:v8+s17+$0x0], $0xffff  }
0xe2: {  	s1 =	simm.s32 @!p0 $0x0;
	v16 =	vadd.s32 $0x3, v3;
	v9 =	vld.idx.msk [tilespmem:v9+s17+$0x0], $0xffff  }
0xe3: {  	s1 =	sshll.u32 s1, $0x6;
	v8 =	vadd.s32 $0x2, v3;
	v10 =	vld.idx.msk [tilespmem:v10+s17+$0x0], $0xffff  }
0xe4: {  	s8 =	sadd.s32 $0x0, s1;
	v17 =	vadd.s32 $0x4, v3;
	v11 =	vld.idx.msk [tilespmem:v11+s17+$0x0], $0xffff  }
0xe5: {  	s10 =	sadd.s32 $0x30, s8;
	v18 =	vadd.s32 $0x5, v3;
	v19 =	vld.idx.msk [tilespmem:v12+s17+$0x0], $0xffff  }
0xe6: {  	s1 =	sadd.s32 $0x10, s8;
	s19 =	sor.u32 $0x380, s10;
	v20 =	vadd.s32 $0x6, v3;
	v13 =	vld.idx.msk [tilespmem:v13+s17+$0x0], $0xffff  }
0xe7: {  	s11 =	sand.u32 $0x7C00, s25;
	s12 =	sor.u32 $0x200, s1;
	v21 =	vadd.s32 $0x7, v3;
	v16 =	vld.idx.msk [tilespmem:v16+s17+$0x0], $0xffff;
	[tilespmem:s19+$0x5580] =	vst v5  }
0xe8: {  	s13 =	sadd.s32 $0x5580, s11;
	s20 =	sor.u32 $0x280, s1;
	v22 =	vadd.s32 $0x1, v4;
	v5 =	vld.idx.msk [tilespmem:v8+s17+$0x0], $0xffff;
	[tilespmem:s12+$0x5580] =	vst v9  }
0xe9: {  	s7 =	sor.u32 s14, s13;
	v23 =	vadd.s32 $0x2, v4;
	v12 =	vld.idx.msk [tilespmem:v17+s17+$0x0], $0xffff;
	[tilespmem:s20+$0x5580] =	vst v10  }
0xea: {  	v61 =	vadd.s32 $0x3, v4;
	[tilespmem:s7+$0x80] =	vst v6;
	v8 =	vld.idx.msk [tilespmem:v18+s17+$0x0], $0xffff  }
0xeb: {  	s28 =	simm.s32 $0x0;
	v62 =	vadd.s32 $0x4, v4;
	[tilespmem:s7+$0x100] =	vst v7;
	v6 =	vld.idx.msk [tilespmem:v20+s17+$0x0], $0xffff  }
0xec: {  	s29 =	sor.u32 s9, s13;
	s21 =	sadd.s32 $0x20, s8;
	v63 =	vadd.s32 $0x5, v4;
	[tilespmem:s7+$0x180] =	vst v15;
	v7 =	vld.idx.msk [tilespmem:v21+s17+$0x0], $0xffff;
	s19 =	sor.u32 s15, s13  }
0xed: {  	s4 =	sor.u32 $0x200, s8;
	s31 =	sor.u32 $0x280, s8;
	s22 =	sor.u32 $0x300, s1;
	v9 =	vld.idx.msk [tilespmem:v22+s17+$0x0], $0xffff;
	[tilespmem:s19+$0x100] =	vst v5;
	v5 =	vadd.s32 $0x6, v4  }
0xee: {  	s0 =	sor.u32 $0x300, s8;
	s30 =	sor.u32 $0x380, s8;
	s20 =	sor.u32 $0x380, s1;
	[tilespmem:s22+$0x5580] =	vst v11;
	v10 =	vld.idx.msk [tilespmem:v23+s17+$0x0], $0xffff  }
0xef: {  	s2 =	sor.u32 $0x200, s21;
	s18 =	sor.u32 $0x280, s21;
	s16 =	sor.u32 $0x300, s21;
	v11 =	vld.idx.msk [tilespmem:v61+s17+$0x0], $0xffff;
	[tilespmem:s20+$0x5580] =	vst v19  }
0xf0: {  	s11 =	sor.u32 $0x300, s10;
	s12 =	sor.u32 $0x380, s21;
	s1 =	sor.u32 $0x200, s10;
	[tilespmem:s19+$0x80] =	vst v13;
	v13 =	vld.idx.msk [tilespmem:v62+s17+$0x0], $0xffff  }
0xf1: {  	s22 =	sor.u32 $0x280, s10;
	s13 =	sor.u32 s5, s13;
	s5 =	simm.s32 $0x40;
	[tilespmem:s19+$0x180] =	vst v16;
	v4 =	vmul.u32 $0x43, v14;
	v14 =	vld.idx.msk [tilespmem:v63+s17+$0x0], $0xffff  }
.LBB2_7:
0xf2: {  	s10 =	sand.u32 $0x40, s5;
	s8 =	sand.u32 $0xF80, s5;
	s28 =	sadd.s32 $0x4, s28;
	[tilespmem:s2+$0x5580] =	vst v12;
	v5 =	vld.idx.msk [tilespmem:v5+s17+$0x0], $0xffff  }
0xf3: {  	v12 =	vadd.s32 v0, v4;
	s2 =	sadd.s32 $0x3580, s8;
	s8 =	sor.u32 $0x30, s10;
	p1 =	slt.u32 s28, $0xFC;
	v2 =	vld.idx.msk [tilespmem:v2+s17+$0x0], $0xffff;
	[tilespmem:s18+$0x5580] =	vst v8  }
0xf4: {  	s21 =	sor.u32 $0x10, s10;
	s20 =	sor.u32 $0x20, s10;
	v8 =	vadd.s32 $0x1, v12;
	s18 =	sor.u32 s8, s2;
	v3 =	vld.idx.msk [tilespmem:v3+s17+$0x0], $0xffff;
	[tilespmem:s16+$0x5580] =	vst v6  }
0xf5: {  	v15 =	vadd.s32 $0x2, v12;
	s16 =	sor.u32 s21, s2;
	s2 =	sor.u32 s20, s2;
	v6 =	vld [tilespmem:s18+$0x0];
	[tilespmem:s12+$0x5580] =	vst v7  }
0xf6: {  	v16 =	vadd.s32 $0x3, v12;
	v7 =	vld [tilespmem:s16+$0x0];
	[tilespmem:s13+$0x80] =	vst v9  }
0xf7: {  	s26 =	sadd.s32 $0x40, s26;
	v17 =	vadd.s32 $0x4, v12;
	v9 =	vld [tilespmem:s2+$0x0];
	[tilespmem:s13+$0x100] =	vst v10  }
0xf8: {  	v10 =	vadd.s32 $0x5, v12;
	v4 =	vld [tilespmem:s26+$0x0];
	[tilespmem:s13+$0x180] =	vst v11  }
0xf9: {  	v11 =	vadd.s32 $0x6, v12;
	v8 =	vld.idx.msk [tilespmem:v8+s17+$0x0], $0xffff;
	[tilespmem:s1+$0x5580] =	vst v13  }
0xfa: {  	v6 =	vmul.u32 $0x43, v6;
	v13 =	vld.idx.msk [tilespmem:v15+s17+$0x0], $0xffff;
	v15 =	vadd.s32 $0x7, v12;
	[tilespmem:s22+$0x5580] =	vst v14  }
0xfb: {  	v7 =	vmul.u32 $0x43, v7;
	v14 =	vld.idx.msk [tilespmem:v16+s17+$0x0], $0xffff;
	[tilespmem:s11+$0x5580] =	vst v5  }
0xfc: {  	v5 =	vmul.u32 $0x43, v9;
	v6 =	vadd.s32 v0, v6;
	v9 =	vld.idx.msk [tilespmem:v17+s17+$0x0], $0xffff;
	[tilespmem:s7+$0x0] =	vst v2  }
0xfd: {  	v2 =	vadd.s32 v0, v7;
	v16 =	vadd.s32 $0x1, v6;
	v7 =	vadd.s32 $0x7, v6;
	v10 =	vld.idx.msk [tilespmem:v10+s17+$0x0], $0xffff;
	[tilespmem:s19+$0x0] =	vst v3  }
0xfe: {  	v17 =	vadd.s32 $0x1, v2;
	v18 =	vadd.s32 $0x2, v2;
	v3 =	vadd.s32 v0, v5;
	v11 =	vld.idx.msk [tilespmem:v11+s17+$0x0], $0xffff;
	[tilespmem:s13+$0x0] =	vst v1  }
0xff: {  	v19 =	vadd.s32 $0x3, v2;
	v20 =	vadd.s32 $0x4, v2;
	v21 =	vadd.s32 $0x5, v2;
	[tilespmem:s29+$0x80] =	vst v8;
	v8 =	vld.idx.msk [tilespmem:v15+s17+$0x0], $0xffff  }
0x100: {  	v22 =	vadd.s32 $0x7, v2;
	v15 =	vadd.s32 $0x6, v2;
	v23 =	vadd.s32 $0x1, v3;
	v12 =	vld.idx.msk [tilespmem:v12+s17+$0x0], $0xffff;
	[tilespmem:s29+$0x100] =	vst v13  }
0x101: {  	v24 =	vadd.s32 $0x3, v3;
	v25 =	vadd.s32 $0x4, v3;
	v13 =	vadd.s32 $0x2, v3;
	v1 =	vld.idx.msk [tilespmem:v6+s17+$0x0], $0xffff;
	[tilespmem:s29+$0x180] =	vst v14  }
0x102: {  	p0 =	por !p0, !p0;
	s1 =	simm.s32 $0x1;
	v26 =	vadd.s32 $0x6, v3;
	v27 =	vadd.s32 $0x7, v3;
	v14 =	vadd.s32 $0x5, v3;
	v7 =	vld.idx.msk [tilespmem:v7+s17+$0x0], $0xffff;
	[tilespmem:s4+$0x5580] =	vst v9  }
0x103: {  	s1 =	simm.s32 @!p0 $0x0;
	v28 =	vadd.s32 $0x3, v6;
	v29 =	vadd.s32 $0x4, v6;
	v9 =	vld.idx.msk [tilespmem:v17+s17+$0x0], $0xffff;
	v17 =	vadd.s32 $0x2, v6;
	[tilespmem:s31+$0x5580] =	vst v10  }
0x104: {  	s25 =	sadd.s32 $0x200, s25;
	s1 =	sshll.u32 s1, $0x6;
	v5 =	vadd.s32 $0x6, v6;
	v10 =	vld.idx.msk [tilespmem:v18+s17+$0x0], $0xffff;
	v18 =	vadd.s32 $0x5, v6;
	[tilespmem:s0+$0x5580] =	vst v11  }
0x105: {  	s7 =	sadd.s32 s1, s25;
	s0 =	sand.u32 $0x7C00, s25;
	v11 =	vld.idx.msk [tilespmem:v19+s17+$0x0], $0xffff;
	[tilespmem:s30+$0x5580] =	vst v8  }
0x106: {  	s1 =	sadd.s32 $0x10, s7;
	s11 =	sadd.s32 $0x30, s7;
	s4 =	sadd.s32 $0x20, s7;
	v6 =	vld.idx.msk [tilespmem:v20+s17+$0x0], $0xffff;
	[tilespmem:s29+$0x0] =	vst v12  }
0x107: {  	s19 =	sor.u32 $0x200, s1;
	s13 =	sadd.s32 $0x5580, s0;
	s0 =	sor.u32 $0x380, s11;
	v8 =	vld.idx.msk [tilespmem:v21+s17+$0x0], $0xffff  }
0x108: {  	s6 =	sor.u32 $0x280, s1;
	s3 =	sor.u32 $0x300, s1;
	s14 =	sor.u32 $0x380, s1;
	v15 =	vld.idx.msk [tilespmem:v15+s17+$0x0], $0xffff;
	[tilespmem:s0+$0x5580] =	vst v7  }
0x109: {  	s2 =	sor.u32 $0x200, s4;
	s18 =	sor.u32 $0x280, s4;
	s16 =	sor.u32 $0x300, s4;
	v19 =	vld.idx.msk [tilespmem:v22+s17+$0x0], $0xffff  }
0x10a: {  	s1 =	sor.u32 $0x200, s11;
	s22 =	sor.u32 $0x280, s11;
	s12 =	sor.u32 $0x380, s4;
	v20 =	vld.idx.msk [tilespmem:v23+s17+$0x0], $0xffff  }
0x10b: {  	s4 =	sor.u32 $0x200, s7;
	s31 =	sor.u32 $0x280, s7;
	s11 =	sor.u32 $0x300, s11;
	v13 =	vld.idx.msk [tilespmem:v13+s17+$0x0], $0xffff  }
0x10c: {  	s30 =	sor.u32 $0x380, s7;
	s29 =	sor.u32 s10, s13;
	s0 =	sor.u32 $0x300, s7;
	[tilespmem:s19+$0x5580] =	vst v6;
	v21 =	vld.idx.msk [tilespmem:v24+s17+$0x0], $0xffff  }
0x10d: {  	s7 =	sor.u32 s21, s13;
	s19 =	sor.u32 s20, s13;
	s13 =	sor.u32 s8, s13;
	[tilespmem:s6+$0x5580] =	vst v8;
	v12 =	vld.idx.msk [tilespmem:v25+s17+$0x0], $0xffff  }
0x10e: {  	[tilespmem:s7+$0x80] =	vst v9;
	v8 =	vld.idx.msk [tilespmem:v14+s17+$0x0], $0xffff  }
0x10f: {  	[tilespmem:s7+$0x100] =	vst v10;
	v6 =	vld.idx.msk [tilespmem:v26+s17+$0x0], $0xffff  }
0x110: {  	[tilespmem:s7+$0x180] =	vst v11;
	v7 =	vld.idx.msk [tilespmem:v27+s17+$0x0], $0xffff  }
.Ltmp9:
0x111: {  	[tilespmem:s3+$0x5580] =	vst v15;
	v9 =	vld.idx.msk [tilespmem:v16+s17+$0x0], $0xffff;
	(pc) =	sbr.rel @p1 .LBB2_7-.Ltmp9, $4  }
0x112: {  	[tilespmem:s14+$0x5580] =	vst v19;
	v10 =	vld.idx.msk [tilespmem:v17+s17+$0x0], $0xffff  }
0x113: {  	[tilespmem:s19+$0x80] =	vst v20;
	v11 =	vld.idx.msk [tilespmem:v28+s17+$0x0], $0xffff  }
0x114: {  	[tilespmem:s19+$0x100] =	vst v13;
	v13 =	vld.idx.msk [tilespmem:v29+s17+$0x0], $0xffff  }
0x115: {  	s5 =	sadd.s32 $0x40, s5;
	v4 =	vmul.u32 $0x43, v4;
	[tilespmem:s19+$0x180] =	vst v21;
	v14 =	vld.idx.msk [tilespmem:v18+s17+$0x0], $0xffff  }
.Ltmp10:
0x116: {  	_ = 	snop;
	(pc) =	sbr.rel .LBB2_8-.Ltmp10, $1  }
0x117: {  	_ =	sdelay $0x3  }
.LBB2_9:
0x118: {  	s1 =	sand.u32 $0x300, s1;
	s0 =	sand.u32 $0x1E0000, s0  }
.Ltmp11:
0x119: {  	s29 =	rddreg [dreg:$0x5];
	s0 =	sor.u32 s0, s1;
	(pc) =	sbr.rel @!p0 .LBB2_11-.Ltmp11, $4  }
.Ltmp12:
0x11a: {  	s0 =	sor.u32 s29, s0;
	(pc) =	sbr.rel @p0 .LBB2_10-.Ltmp12, $4  }
0x11b: {  	s30 =	rddreg [dreg:$0x1];
	s31 =	simm.s32 $0x80;
	s0 =	sshrl.u32 s0, $0x3  }
0x11c: {  	s2 =	simm.s32 $0x400;
	s3 =	simm.s32 $0x3580;
	s0 =	sadd.s32 s30, s0  }
0x11d: {  	[tilespmem:s3], [sflag:$0x1] =	stream.strided.gather [hbm4b:s0+s31], $0x1000, s2, s31, $0x38;
	[tilespmem:$0x15580] =	vst v63  }
0x11e: {  	_ = 	snop  }
.LBB2_16:
0x11f: {  	_ =	sfence.sel $0x180000  }
0x120: {  	[bflag:$0x0] =	sbarrier.arrive $0xFFFF  }
0x121: {  	_ =	strace $0x90000047  }
0x122: {  	s0 =	stileid.u32;
	[bflag:$0x2] =	sbarrier.arrive $0xFFFF  }
0x123: {  	p0 =	sne.s32 s0, $0x0;
	s0 =	rddreg [dreg:$0x3]  }
0x124: {  	s0 =	sadd.s32 @!p0 $0x100000, s0  }
0x125: {  	[sflag:s0] =	ssyncadd.tile.s32 @!p0 $0x1;
	_ =	shalt  }
.Lfunc_end2:
_tile_overlayer_lowered:
.L_overlay_start_2:
0x126: {  	(tag) =	ssettag $0x2  }
0x127: {  	s0 =	rddreg [dreg:$0x0];
	s2 =	stileid.u32  }
0x128: {  	s1 =	rddreg [dreg:$0x1];
	p0 =	sne.s32 s2, $0x0  }
0x129: {  	s3 =	rddreg [dreg:$0x2];
	[bflag:$0x3] =	sbarrier.arrive $0xFFFF;
	s2 =	simm.s32 @!p0 $0x1C05  }
0x12a: {  	[timem:s3], [sflag:s2] =	dma.local @!p0 [hbm:s0], s1  }
0x12b: {  	s0 =	simm.s32 @!p0 $0x5  }
0x12c: {  	_ =	swait.ge @!p0 [sflag:s0], s1  }
0x12d: {  	s1 =	ssub.s32 @!p0 $0x0, s1;
	[sflag:s0] =	ssyncset.done @!p0 $0x0  }
0x12e: {  	[sflag:s0] =	ssyncadd.s32 @!p0 s1  }
0x12f: {  	[bflag:$0x3] =	sbarrier.arrive $0xFFFF  }
0x130: {  	_ =	shalt  }

</sc_bundles>
